<compile_context>
chip_gen: v7x
topology: tpu7x:2x2x1
jax: 0.10.2.dev20260603
libtpu: 0.0.44.dev20260713+nightly
codegen_flags: <defaults>
</compile_context>

<pallas_src>
import functools
import math

import jax
import jax.numpy as jnp
from jax import lax
from jax.experimental import pallas as pl
from jax.experimental.pallas import tpu as pltpu
from jax.experimental.pallas import tpu_sc as plsc

_D = 128
_U = 128
_G = 4
_GM = 8
_NC, _NS = 2, 16
_NW = _NC * _NS
_CH = 128
_NEG = -(2 ** 31)



def _gather_body(n_ch, table_hbm, idx_hbm, out_hbm, idx_v, rows_v, sem):
    wid = lax.axis_index("s") * _NC + lax.axis_index("c")
    pltpu.sync_copy(idx_hbm.at[pl.ds(wid * n_ch, n_ch)], idx_v)
    copies = [pltpu.async_copy(table_hbm.at[idx_v.at[j]], rows_v.at[j], sem)
              for j in range(n_ch)]
    for j in range(n_ch):
        copies[j].wait()
        pltpu.sync_copy(rows_v.at[j],
                        out_hbm.at[pl.ds((wid * n_ch + j) * _CH, _CH)])


def _row_gather(table, idx2d):
    g = idx2d.shape[0]
    n_ch = g // _NW
    mesh = plsc.VectorSubcoreMesh(core_axis_name="c", subcore_axis_name="s")
    run = pl.kernel(
        functools.partial(_gather_body, n_ch),
        mesh=mesh,
        out_type=jax.ShapeDtypeStruct((g * _CH, _D), jnp.float32),
        scratch_types=[
            pltpu.VMEM((n_ch, _CH), jnp.int32),
            pltpu.VMEM((n_ch, _CH, _D), jnp.float32),
            pltpu.SemaphoreType.DMA,
        ],
    )
    return run(table, idx2d)



def _select_body(n_m, inv_s, ksub_ref, qm_ref, idx_ref, key_ref):
    i = pl.program_id(0)
    bh, l = key_ref.shape

    @pl.when(i < n_m)
    def _m_phase():
        rows = []
        for g in range(_GM):
            s = lax.dot_general(ksub_ref[g].astype(jnp.bfloat16),
                                qm_ref[g].astype(jnp.bfloat16),
                                (((1,), (1,)), ((), ())),
                                preferred_element_type=jnp.float32)
            rows.append(jnp.max(s, axis=0, keepdims=True)
                        - jnp.sum(s, axis=0, keepdims=True) * inv_s)
        m = jnp.concatenate(rows, axis=0)
        bits = lax.bitcast_convert_type(m, jnp.int32)
        key = jnp.where(bits < 0, bits ^ jnp.int32(0x7FFFFFFF), bits)
        col = lax.broadcasted_iota(jnp.int32, (_GM, l), 1)
        key_ref[pl.ds(_GM * i, _GM), :] = (
            (key & jnp.int32(~(l - 1))) | (jnp.int32(l - 1) - col))

    @pl.when(i == n_m)
    def _topk_phase():
        col_u = lax.broadcasted_iota(jnp.int32, (bh, _U), 1)

        def body(t, acc):
            kk = key_ref[...]
            mx = jnp.max(kk, axis=1, keepdims=True)
            sel = jnp.int32(l - 1) - (mx & jnp.int32(l - 1))
            key_ref[...] = jnp.where(kk == mx, jnp.int32(_NEG), kk)
            return acc + jnp.where(col_u == t, sel, 0)

        idx_ref[...] = (lax.fori_loop(0, _U, body,
                                      jnp.zeros((bh, _U), jnp.int32))
                        + lax.broadcasted_iota(jnp.int32, (bh, _U), 0)
                        * jnp.int32(l))


def _select(ksub3, q3):
    bh, l, d = q3.shape
    n_m = bh // _GM
    m_map = lambda i: (jnp.minimum(i, n_m - 1), 0, 0)
    return pl.pallas_call(
        functools.partial(_select_body, n_m, 1.0 / l),
        grid=(n_m + 1,),
        in_specs=[pl.BlockSpec((_GM, _U, d), m_map),
                  pl.BlockSpec((_GM, l, d), m_map)],
        out_specs=pl.BlockSpec((bh, _U), lambda i: (0, 0)),
        out_shape=jax.ShapeDtypeStruct((bh, _U), jnp.int32),
        scratch_shapes=[pltpu.VMEM((bh, l), jnp.int32)],
    )(ksub3, q3)



def _attn_body(scale, qr_ref, k_ref, v_ref, o_ref):
    for g in range(_G):
        v = v_ref[g]
        s = lax.dot_general(qr_ref[g].astype(jnp.bfloat16),
                            k_ref[g].astype(jnp.bfloat16),
                            (((1,), (1,)), ((), ())),
                            preferred_element_type=jnp.float32) * scale
        mx = jnp.max(s, axis=1, keepdims=True)
        e = jnp.exp(s - mx)
        attn = e / jnp.sum(e, axis=1, keepdims=True)
        p1 = lax.dot_general(attn.astype(jnp.bfloat16), v.astype(jnp.bfloat16),
                             (((1,), (0,)), ((), ())),
                             preferred_element_type=jnp.float32)
        vsum = jnp.sum(v, axis=0, keepdims=True)
        fill = jnp.broadcast_to(vsum, (v.shape[0] - _U, v.shape[1]))
        o_ref[g] = jnp.concatenate([p1, fill], axis=0)


def _attention(qr3, k3, v3):
    bh, s, d = k3.shape
    return pl.pallas_call(
        functools.partial(_attn_body, 1.0 / math.sqrt(d)),
        grid=(bh // _G,),
        in_specs=[pl.BlockSpec((_G, _U, d), lambda i: (i, 0, 0)),
                  pl.BlockSpec((_G, s, d), lambda i: (i, 0, 0)),
                  pl.BlockSpec((_G, s, d), lambda i: (i, 0, 0))],
        out_specs=pl.BlockSpec((_G, s, d), lambda i: (i, 0, 0)),
        out_shape=jax.ShapeDtypeStruct((bh, s, d), jnp.float32),
    )(qr3, k3, v3)



def kernel(queries, keys, values):
    b, l, h, d = queries.shape
    s = keys.shape[1]
    bh = b * h
    q3 = jnp.reshape(queries, (bh, l, d))
    k3 = jnp.reshape(keys, (bh, s, d))
    v3 = jnp.reshape(values, (bh, s, d))

    skey = jax.random.key(42)
    _, k2 = jax.random.split(skey)
    idx_k = jax.random.randint(k2, (_U,), 0, s).astype(jnp.int32)

    offs_k = jnp.arange(bh, dtype=jnp.int32)[:, None] * s
    ksub = _row_gather(jnp.reshape(k3, (bh * s, d)),
                       offs_k + idx_k[None, :])
    mtop = _select(jnp.reshape(ksub, (bh, _U, d)), q3)
    qr = _row_gather(jnp.reshape(q3, (bh * l, d)), mtop)
    out3 = _attention(jnp.reshape(qr, (bh, _U, d)), k3, v3)
    return jnp.reshape(out3, (b, h, s, d))

# --- scband reference (transcript-rebuilt; emitter-appended) ---
"""Pipeline reference for scband-prob-attention-8933531976028 (READ-ONLY COPY).

The authoritative reference and input builder live on the scoring server;
editing this copy changes nothing except your own understanding.
"""

import math
import jax, jax.numpy as jnp
import numpy as np

FACTOR = 128
SCALE = None


def _prob_attention(queries, keys, values):
    # queries/keys/values: [B, L, H, D]; original code reshapes (NOT transposes) to [B, H, L, D]
    B, L, H, D = queries.shape
    S = keys.shape[1]
    Q = jnp.reshape(queries, (B, H, L, D))
    K = jnp.reshape(keys, (B, H, S, D))
    V = jnp.reshape(values, (B, H, S, D))
    U = FACTOR  # n_top
    u = FACTOR  # sample_k
    # _prob_QK: random key sampling (fixed key for determinism, mirrors tf.random_uniform)
    skey = jax.random.key(42)
    k1, k2 = jax.random.split(skey)
    indx_q_seq = jax.random.randint(k1, (L,), 0, S)  # gathers tiled copies -> mathematical no-op
    indx_k_seq = jax.random.randint(k2, (u,), 0, S)
    # K_expand tile [B,H,L,L,D] followed by the three gathers reduces exactly to K[:, :, indx_k_seq, :]
    # broadcast over the query axis; implemented without materializing the tile (same math).
    K_sub = jnp.take(K, indx_k_seq, axis=2)  # [B, H, u, D]
    Q_K_sample = jnp.einsum('bhld,bhkd->bhlk', Q, K_sub)  # [B, H, L, u]
    M = jnp.max(Q_K_sample, axis=-1) - jnp.sum(Q_K_sample, axis=-1) / jnp.float32(S)
    M_top = jax.lax.top_k(M, U)[1]            # [B, H, U] indices of top queries
    N_top = jax.lax.top_k(M, S)[1]            # full descending argsort of M
    last_bott = N_top[:, :, U:]               # [B, H, S-U]
    Q_reduce = jnp.take_along_axis(Q, M_top[..., None], axis=2)  # [B, H, U, D]
    Q_K = jnp.einsum('bhud,bhsd->bhus', Q_reduce, K)             # [B, H, U, S]
    scale = SCALE if SCALE is not None else 1.0 / math.sqrt(D)
    scores = Q_K * scale
    # _get_initial_context with mask_flag=False: mean-like context = tiled sum of V
    V_sum = jnp.sum(V, axis=-2)                                   # [B, H, D]
    context = jnp.broadcast_to(V_sum[:, :, None, :], (B, H, L, D))
    # _update_context (mask_flag=False -> no ProbMask)
    attn = jax.nn.softmax(scores, axis=-1)
    part2 = jnp.take_along_axis(context, last_bott[..., None], axis=2)  # [B, H, L-U, D]
    part1 = jnp.matmul(attn, V)                                          # [B, H, U, D]
    return jnp.concatenate([part1, part2], axis=2)                       # [B, H, L, D]


def setup_inputs(seed: int = 0) -> dict:
    key = jax.random.key(seed)
    kq, kk, kv = jax.random.split(key, 3)
    B, L, H, D = 4, 2048, 16, 128
    return {
        'queries': jax.random.normal(kq, (B, L, H, D), dtype=jnp.float32),
        'keys': jax.random.normal(kk, (B, L, H, D), dtype=jnp.float32),
        'values': jax.random.normal(kv, (B, L, H, D), dtype=jnp.float32),
    }


def reference(queries, keys, values):
    return _prob_attention(queries, keys, values)

if __name__ == "__main__":
    import jax
    _d = setup_inputs()
    print(jax.jit(kernel)(*tuple(_d.values())))

</pallas_src>

<mosaic_0001>
#map = affine_map<(d0, d1) -> (0, 0)>
module attributes {stable_mosaic.version = 14 : i64} {
  func.func @_gather_body(%arg0: i32, %arg1: i32, %arg2: memref<131072x128xf32, #tpu.memory_space<hbm>>, %arg3: memref<64x128xi32, #tpu.memory_space<hbm>>, %arg4: memref<8192x128xf32, #tpu.memory_space<hbm>>, %arg5: memref<2x128xi32, #tpu.memory_space<vmem>>, %arg6: memref<2x128x128xf32, #tpu.memory_space<vmem>>, %arg7: memref<!tpu.dma_semaphore, #tpu.memory_space<semaphore_mem>>) attributes {dimension_semantics = [#tpu.dimension_semantics<core_parallel>, #tpu.dimension_semantics<subcore_parallel>], iteration_bounds = array<i64: 2, 16>, scalar_prefetch = 0 : i64, scratch_operands = 3 : i64, tpu.core_type = #tpu.core_type<sc_vector_subcore>, window_params = [{transform_indices = #map}, {transform_indices = #map}, {transform_indices = #map}]} {
    %mul3A = arith.constant 2 : i32
    %mul3A_0 = arith.muli %arg1, %mul3A : i32
    %add3A = arith.addi %mul3A_0, %arg0 : i32
    %mul3A_1 = arith.constant 2 : i32
    %mul3A_2 = arith.muli %add3A, %mul3A_1 : i32
    "tpu.region"() ({
      %run_scoped3A_62 = tpu.sem_alloc : memref<!tpu.dma_semaphore, #tpu.memory_space<semaphore_mem>>
      %dma_start3A_63 = arith.constant 0 : i32
      %dma_start3A_64 = tpu.memref_slice %arg3[%mul3A_2, %dma_start3A_63] : memref<64x128xi32, #tpu.memory_space<hbm>> -> memref<2x128xi32, #tpu.memory_space<hbm>>
      %dma_start3A_65 = arith.constant 0 : i32
      %dma_start3A_66 = tpu.memref_slice %arg3[%mul3A_2, %dma_start3A_65] : memref<64x128xi32, #tpu.memory_space<hbm>> -> memref<2x128xi32, #tpu.memory_space<hbm>>
      tpu.enqueue_dma source(%dma_start3A_66 : memref<2x128xi32, #tpu.memory_space<hbm>>) target(%arg5 : memref<2x128xi32, #tpu.memory_space<vmem>>) target_semaphore(%run_scoped3A_62 : memref<!tpu.dma_semaphore, #tpu.memory_space<semaphore_mem>>)
      %dma_wait3A_67 = arith.constant 0 : i32
      %dma_wait3A_68 = tpu.memref_slice %arg3[%mul3A_2, %dma_wait3A_67] : memref<64x128xi32, #tpu.memory_space<hbm>> -> memref<2x128xi32, #tpu.memory_space<hbm>>
      %dma_wait3A_69 = arith.constant 0 : i32
      %dma_wait3A_70 = tpu.memref_slice %arg3[%mul3A_2, %dma_wait3A_69] : memref<64x128xi32, #tpu.memory_space<hbm>> -> memref<2x128xi32, #tpu.memory_space<hbm>>
      tpu.wait_dma2 semaphore(%run_scoped3A_62 : memref<!tpu.dma_semaphore, #tpu.memory_space<semaphore_mem>>) src(%dma_wait3A_70 : memref<2x128xi32, #tpu.memory_space<hbm>>) dst(%arg5 : memref<2x128xi32, #tpu.memory_space<vmem>>)
      tpu.yield
    }) : () -> ()
    %dma_start3A = arith.constant 0 : i32
    %dma_start3A_3 = arith.constant 0 : i32
    %dma_start3A_4 = arith.constant 0 : i32
    %dma_start3A_5 = arith.constant 0 : i32
    %dma_start3A_6 = tpu.memref_slice %arg6[%dma_start3A_3, %dma_start3A_4, %dma_start3A_5] : memref<2x128x128xf32, #tpu.memory_space<vmem>> -> memref<1x128x128xf32, #tpu.memory_space<vmem>>
    %dma_start3A_7 = tpu.memref_squeeze %dma_start3A_6 : memref<1x128x128xf32, #tpu.memory_space<vmem>> -> memref<128x128xf32, #tpu.memory_space<vmem>>
    %dma_start3A_8 = arith.constant 0 : i32
    %dma_start3A_9 = tpu.memref_slice %arg5[%dma_start3A, %dma_start3A_8] : memref<2x128xi32, #tpu.memory_space<vmem>> -> memref<1x128xi32, #tpu.memory_space<vmem>>
    %dma_start3A_10 = tpu.memref_squeeze %dma_start3A_9 : memref<1x128xi32, #tpu.memory_space<vmem>> -> memref<128xi32, #tpu.memory_space<vmem>>
    %dma_start3A_11 = arith.constant 0 : i32
    %dma_start3A_12 = arith.constant 0 : i32
    %dma_start3A_13 = tpu.memref_slice %arg2[%dma_start3A_11, %dma_start3A_12] : memref<131072x128xf32, #tpu.memory_space<hbm>> -> memref<131072x128xf32, #tpu.memory_space<hbm>>
    tpu.enqueue_indirect_dma source(%dma_start3A_13 : memref<131072x128xf32, #tpu.memory_space<hbm>>) target(%dma_start3A_7 : memref<128x128xf32, #tpu.memory_space<vmem>>) offsets(%dma_start3A_10 : memref<128xi32, #tpu.memory_space<vmem>>) semaphore(%arg7 : memref<!tpu.dma_semaphore, #tpu.memory_space<semaphore_mem>>)
    %dma_start3A_14 = arith.constant 1 : i32
    %dma_start3A_15 = arith.constant 1 : i32
    %dma_start3A_16 = arith.constant 0 : i32
    %dma_start3A_17 = arith.constant 0 : i32
    %dma_start3A_18 = tpu.memref_slice %arg6[%dma_start3A_15, %dma_start3A_16, %dma_start3A_17] : memref<2x128x128xf32, #tpu.memory_space<vmem>> -> memref<1x128x128xf32, #tpu.memory_space<vmem>>
    %dma_start3A_19 = tpu.memref_squeeze %dma_start3A_18 : memref<1x128x128xf32, #tpu.memory_space<vmem>> -> memref<128x128xf32, #tpu.memory_space<vmem>>
    %dma_start3A_20 = arith.constant 0 : i32
    %dma_start3A_21 = tpu.memref_slice %arg5[%dma_start3A_14, %dma_start3A_20] : memref<2x128xi32, #tpu.memory_space<vmem>> -> memref<1x128xi32, #tpu.memory_space<vmem>>
    %dma_start3A_22 = tpu.memref_squeeze %dma_start3A_21 : memref<1x128xi32, #tpu.memory_space<vmem>> -> memref<128xi32, #tpu.memory_space<vmem>>
    %dma_start3A_23 = arith.constant 0 : i32
    %dma_start3A_24 = arith.constant 0 : i32
    %dma_start3A_25 = tpu.memref_slice %arg2[%dma_start3A_23, %dma_start3A_24] : memref<131072x128xf32, #tpu.memory_space<hbm>> -> memref<131072x128xf32, #tpu.memory_space<hbm>>
    tpu.enqueue_indirect_dma source(%dma_start3A_25 : memref<131072x128xf32, #tpu.memory_space<hbm>>) target(%dma_start3A_19 : memref<128x128xf32, #tpu.memory_space<vmem>>) offsets(%dma_start3A_22 : memref<128xi32, #tpu.memory_space<vmem>>) semaphore(%arg7 : memref<!tpu.dma_semaphore, #tpu.memory_space<semaphore_mem>>)
    %dma_wait3A = arith.constant 0 : i32
    %dma_wait3A_26 = arith.constant 0 : i32
    %dma_wait3A_27 = arith.constant 0 : i32
    %dma_wait3A_28 = arith.constant 0 : i32
    %dma_wait3A_29 = tpu.memref_slice %arg6[%dma_wait3A_26, %dma_wait3A_27, %dma_wait3A_28] : memref<2x128x128xf32, #tpu.memory_space<vmem>> -> memref<1x128x128xf32, #tpu.memory_space<vmem>>
    %dma_wait3A_30 = tpu.memref_squeeze %dma_wait3A_29 : memref<1x128x128xf32, #tpu.memory_space<vmem>> -> memref<128x128xf32, #tpu.memory_space<vmem>>
    %dma_wait3A_31 = arith.constant 0 : i32
    %dma_wait3A_32 = tpu.memref_slice %arg5[%dma_wait3A, %dma_wait3A_31] : memref<2x128xi32, #tpu.memory_space<vmem>> -> memref<1x128xi32, #tpu.memory_space<vmem>>
    %dma_wait3A_33 = tpu.memref_squeeze %dma_wait3A_32 : memref<1x128xi32, #tpu.memory_space<vmem>> -> memref<128xi32, #tpu.memory_space<vmem>>
    %dma_wait3A_34 = arith.constant 0 : i32
    %dma_wait3A_35 = arith.constant 0 : i32
    %dma_wait3A_36 = tpu.memref_slice %arg2[%dma_wait3A_34, %dma_wait3A_35] : memref<131072x128xf32, #tpu.memory_space<hbm>> -> memref<131072x128xf32, #tpu.memory_space<hbm>>
    tpu.wait_indirect_dma semaphore(%arg7 : memref<!tpu.dma_semaphore, #tpu.memory_space<semaphore_mem>>) src(%dma_wait3A_36 : memref<131072x128xf32, #tpu.memory_space<hbm>>) dst(%dma_wait3A_30 : memref<128x128xf32, #tpu.memory_space<vmem>>)
    %mul3A_37 = arith.constant 2 : i32
    %mul3A_38 = arith.muli %add3A, %mul3A_37 : i32
    %add3A_39 = arith.constant 0 : i32
    %add3A_40 = arith.addi %mul3A_38, %add3A_39 : i32
    %mul3A_41 = arith.constant 128 : i32
    %mul3A_42 = arith.muli %add3A_40, %mul3A_41 : i32
    %run_scoped3A = arith.constant 0 : i32
    "tpu.region"() ({
      %run_scoped3A_62 = tpu.sem_alloc : memref<!tpu.dma_semaphore, #tpu.memory_space<semaphore_mem>>
      %dma_start3A_63 = arith.constant 0 : i32
      %dma_start3A_64 = arith.constant 0 : i32
      %dma_start3A_65 = tpu.memref_slice %arg6[%run_scoped3A, %dma_start3A_63, %dma_start3A_64] : memref<2x128x128xf32, #tpu.memory_space<vmem>> -> memref<1x128x128xf32, #tpu.memory_space<vmem>>
      %dma_start3A_66 = tpu.memref_squeeze %dma_start3A_65 : memref<1x128x128xf32, #tpu.memory_space<vmem>> -> memref<128x128xf32, #tpu.memory_space<vmem>>
      %dma_start3A_67 = arith.constant 0 : i32
      %dma_start3A_68 = tpu.memref_slice %arg4[%mul3A_42, %dma_start3A_67] : memref<8192x128xf32, #tpu.memory_space<hbm>> -> memref<128x128xf32, #tpu.memory_space<hbm>>
      %dma_start3A_69 = arith.constant 0 : i32
      %dma_start3A_70 = tpu.memref_slice %arg4[%mul3A_42, %dma_start3A_69] : memref<8192x128xf32, #tpu.memory_space<hbm>> -> memref<128x128xf32, #tpu.memory_space<hbm>>
      %dma_start3A_71 = arith.constant 0 : i32
      %dma_start3A_72 = arith.constant 0 : i32
      %dma_start3A_73 = tpu.memref_slice %arg6[%run_scoped3A, %dma_start3A_71, %dma_start3A_72] : memref<2x128x128xf32, #tpu.memory_space<vmem>> -> memref<1x128x128xf32, #tpu.memory_space<vmem>>
      %dma_start3A_74 = tpu.memref_squeeze %dma_start3A_73 : memref<1x128x128xf32, #tpu.memory_space<vmem>> -> memref<128x128xf32, #tpu.memory_space<vmem>>
      tpu.enqueue_dma source(%dma_start3A_74 : memref<128x128xf32, #tpu.memory_space<vmem>>) target(%dma_start3A_70 : memref<128x128xf32, #tpu.memory_space<hbm>>) target_semaphore(%run_scoped3A_62 : memref<!tpu.dma_semaphore, #tpu.memory_space<semaphore_mem>>)
      %dma_wait3A_75 = arith.constant 0 : i32
      %dma_wait3A_76 = arith.constant 0 : i32
      %dma_wait3A_77 = tpu.memref_slice %arg6[%run_scoped3A, %dma_wait3A_75, %dma_wait3A_76] : memref<2x128x128xf32, #tpu.memory_space<vmem>> -> memref<1x128x128xf32, #tpu.memory_space<vmem>>
      %dma_wait3A_78 = tpu.memref_squeeze %dma_wait3A_77 : memref<1x128x128xf32, #tpu.memory_space<vmem>> -> memref<128x128xf32, #tpu.memory_space<vmem>>
      %dma_wait3A_79 = arith.constant 0 : i32
      %dma_wait3A_80 = tpu.memref_slice %arg4[%mul3A_42, %dma_wait3A_79] : memref<8192x128xf32, #tpu.memory_space<hbm>> -> memref<128x128xf32, #tpu.memory_space<hbm>>
      %dma_wait3A_81 = arith.constant 0 : i32
      %dma_wait3A_82 = tpu.memref_slice %arg4[%mul3A_42, %dma_wait3A_81] : memref<8192x128xf32, #tpu.memory_space<hbm>> -> memref<128x128xf32, #tpu.memory_space<hbm>>
      %dma_wait3A_83 = arith.constant 0 : i32
      %dma_wait3A_84 = arith.constant 0 : i32
      %dma_wait3A_85 = tpu.memref_slice %arg6[%run_scoped3A, %dma_wait3A_83, %dma_wait3A_84] : memref<2x128x128xf32, #tpu.memory_space<vmem>> -> memref<1x128x128xf32, #tpu.memory_space<vmem>>
      %dma_wait3A_86 = tpu.memref_squeeze %dma_wait3A_85 : memref<1x128x128xf32, #tpu.memory_space<vmem>> -> memref<128x128xf32, #tpu.memory_space<vmem>>
      tpu.wait_dma2 semaphore(%run_scoped3A_62 : memref<!tpu.dma_semaphore, #tpu.memory_space<semaphore_mem>>) src(%dma_wait3A_86 : memref<128x128xf32, #tpu.memory_space<vmem>>) dst(%dma_wait3A_82 : memref<128x128xf32, #tpu.memory_space<hbm>>)
      tpu.yield
    }) : () -> ()
    %dma_wait3A_43 = arith.constant 1 : i32
    %dma_wait3A_44 = arith.constant 1 : i32
    %dma_wait3A_45 = arith.constant 0 : i32
    %dma_wait3A_46 = arith.constant 0 : i32
    %dma_wait3A_47 = tpu.memref_slice %arg6[%dma_wait3A_44, %dma_wait3A_45, %dma_wait3A_46] : memref<2x128x128xf32, #tpu.memory_space<vmem>> -> memref<1x128x128xf32, #tpu.memory_space<vmem>>
    %dma_wait3A_48 = tpu.memref_squeeze %dma_wait3A_47 : memref<1x128x128xf32, #tpu.memory_space<vmem>> -> memref<128x128xf32, #tpu.memory_space<vmem>>
    %dma_wait3A_49 = arith.constant 0 : i32
    %dma_wait3A_50 = tpu.memref_slice %arg5[%dma_wait3A_43, %dma_wait3A_49] : memref<2x128xi32, #tpu.memory_space<vmem>> -> memref<1x128xi32, #tpu.memory_space<vmem>>
    %dma_wait3A_51 = tpu.memref_squeeze %dma_wait3A_50 : memref<1x128xi32, #tpu.memory_space<vmem>> -> memref<128xi32, #tpu.memory_space<vmem>>
    %dma_wait3A_52 = arith.constant 0 : i32
    %dma_wait3A_53 = arith.constant 0 : i32
    %dma_wait3A_54 = tpu.memref_slice %arg2[%dma_wait3A_52, %dma_wait3A_53] : memref<131072x128xf32, #tpu.memory_space<hbm>> -> memref<131072x128xf32, #tpu.memory_space<hbm>>
    tpu.wait_indirect_dma semaphore(%arg7 : memref<!tpu.dma_semaphore, #tpu.memory_space<semaphore_mem>>) src(%dma_wait3A_54 : memref<131072x128xf32, #tpu.memory_space<hbm>>) dst(%dma_wait3A_48 : memref<128x128xf32, #tpu.memory_space<vmem>>)
    %mul3A_55 = arith.constant 2 : i32
    %mul3A_56 = arith.muli %add3A, %mul3A_55 : i32
    %add3A_57 = arith.constant 1 : i32
    %add3A_58 = arith.addi %mul3A_56, %add3A_57 : i32
    %mul3A_59 = arith.constant 128 : i32
    %mul3A_60 = arith.muli %add3A_58, %mul3A_59 : i32
    %run_scoped3A_61 = arith.constant 1 : i32
    "tpu.region"() ({
      %run_scoped3A_62 = tpu.sem_alloc : memref<!tpu.dma_semaphore, #tpu.memory_space<semaphore_mem>>
      %dma_start3A_63 = arith.constant 0 : i32
      %dma_start3A_64 = arith.constant 0 : i32
      %dma_start3A_65 = tpu.memref_slice %arg6[%run_scoped3A_61, %dma_start3A_63, %dma_start3A_64] : memref<2x128x128xf32, #tpu.memory_space<vmem>> -> memref<1x128x128xf32, #tpu.memory_space<vmem>>
      %dma_start3A_66 = tpu.memref_squeeze %dma_start3A_65 : memref<1x128x128xf32, #tpu.memory_space<vmem>> -> memref<128x128xf32, #tpu.memory_space<vmem>>
      %dma_start3A_67 = arith.constant 0 : i32
      %dma_start3A_68 = tpu.memref_slice %arg4[%mul3A_60, %dma_start3A_67] : memref<8192x128xf32, #tpu.memory_space<hbm>> -> memref<128x128xf32, #tpu.memory_space<hbm>>
      %dma_start3A_69 = arith.constant 0 : i32
      %dma_start3A_70 = tpu.memref_slice %arg4[%mul3A_60, %dma_start3A_69] : memref<8192x128xf32, #tpu.memory_space<hbm>> -> memref<128x128xf32, #tpu.memory_space<hbm>>
      %dma_start3A_71 = arith.constant 0 : i32
      %dma_start3A_72 = arith.constant 0 : i32
      %dma_start3A_73 = tpu.memref_slice %arg6[%run_scoped3A_61, %dma_start3A_71, %dma_start3A_72] : memref<2x128x128xf32, #tpu.memory_space<vmem>> -> memref<1x128x128xf32, #tpu.memory_space<vmem>>
      %dma_start3A_74 = tpu.memref_squeeze %dma_start3A_73 : memref<1x128x128xf32, #tpu.memory_space<vmem>> -> memref<128x128xf32, #tpu.memory_space<vmem>>
      tpu.enqueue_dma source(%dma_start3A_74 : memref<128x128xf32, #tpu.memory_space<vmem>>) target(%dma_start3A_70 : memref<128x128xf32, #tpu.memory_space<hbm>>) target_semaphore(%run_scoped3A_62 : memref<!tpu.dma_semaphore, #tpu.memory_space<semaphore_mem>>)
      %dma_wait3A_75 = arith.constant 0 : i32
      %dma_wait3A_76 = arith.constant 0 : i32
      %dma_wait3A_77 = tpu.memref_slice %arg6[%run_scoped3A_61, %dma_wait3A_75, %dma_wait3A_76] : memref<2x128x128xf32, #tpu.memory_space<vmem>> -> memref<1x128x128xf32, #tpu.memory_space<vmem>>
      %dma_wait3A_78 = tpu.memref_squeeze %dma_wait3A_77 : memref<1x128x128xf32, #tpu.memory_space<vmem>> -> memref<128x128xf32, #tpu.memory_space<vmem>>
      %dma_wait3A_79 = arith.constant 0 : i32
      %dma_wait3A_80 = tpu.memref_slice %arg4[%mul3A_60, %dma_wait3A_79] : memref<8192x128xf32, #tpu.memory_space<hbm>> -> memref<128x128xf32, #tpu.memory_space<hbm>>
      %dma_wait3A_81 = arith.constant 0 : i32
      %dma_wait3A_82 = tpu.memref_slice %arg4[%mul3A_60, %dma_wait3A_81] : memref<8192x128xf32, #tpu.memory_space<hbm>> -> memref<128x128xf32, #tpu.memory_space<hbm>>
      %dma_wait3A_83 = arith.constant 0 : i32
      %dma_wait3A_84 = arith.constant 0 : i32
      %dma_wait3A_85 = tpu.memref_slice %arg6[%run_scoped3A_61, %dma_wait3A_83, %dma_wait3A_84] : memref<2x128x128xf32, #tpu.memory_space<vmem>> -> memref<1x128x128xf32, #tpu.memory_space<vmem>>
      %dma_wait3A_86 = tpu.memref_squeeze %dma_wait3A_85 : memref<1x128x128xf32, #tpu.memory_space<vmem>> -> memref<128x128xf32, #tpu.memory_space<vmem>>
      tpu.wait_dma2 semaphore(%run_scoped3A_62 : memref<!tpu.dma_semaphore, #tpu.memory_space<semaphore_mem>>) src(%dma_wait3A_86 : memref<128x128xf32, #tpu.memory_space<vmem>>) dst(%dma_wait3A_82 : memref<128x128xf32, #tpu.memory_space<hbm>>)
      tpu.yield
    }) : () -> ()
    return
  }
}

#map = affine_map<(d0, d1) -> (0, 0)>
module attributes {stable_mosaic.version = 14 : i64} {
  func.func @_gather_body(%arg0: i32, %arg1: i32, %arg2: memref<131072x128xf32, #tpu.memory_space<hbm>>, %arg3: memref<64x128xi32, #tpu.memory_space<hbm>>, %arg4: memref<8192x128xf32, #tpu.memory_space<hbm>>, %arg5: memref<2x128xi32, #tpu.memory_space<vmem>>, %arg6: memref<2x128x128xf32, #tpu.memory_space<vmem>>, %arg7: memref<!tpu.dma_semaphore, #tpu.memory_space<semaphore_mem>>) attributes {dimension_semantics = [#tpu.dimension_semantics<core_parallel>, #tpu.dimension_semantics<subcore_parallel>], iteration_bounds = array<i64: 2, 16>, scalar_prefetch = 0 : i64, scratch_operands = 3 : i64, tpu.core_type = #tpu.core_type<sc_vector_subcore>, window_params = [{transform_indices = #map}, {transform_indices = #map}, {transform_indices = #map}]} {
    %mul3A = arith.constant 2 : i32
    %mul3A_0 = arith.muli %arg1, %mul3A : i32
    %add3A = arith.addi %mul3A_0, %arg0 : i32
    %mul3A_1 = arith.constant 2 : i32
    %mul3A_2 = arith.muli %add3A, %mul3A_1 : i32
    "tpu.region"() ({
      %run_scoped3A_62 = tpu.sem_alloc : memref<!tpu.dma_semaphore, #tpu.memory_space<semaphore_mem>>
      %dma_start3A_63 = arith.constant 0 : i32
      %dma_start3A_64 = tpu.memref_slice %arg3[%mul3A_2, %dma_start3A_63] : memref<64x128xi32, #tpu.memory_space<hbm>> -> memref<2x128xi32, #tpu.memory_space<hbm>>
      %dma_start3A_65 = arith.constant 0 : i32
      %dma_start3A_66 = tpu.memref_slice %arg3[%mul3A_2, %dma_start3A_65] : memref<64x128xi32, #tpu.memory_space<hbm>> -> memref<2x128xi32, #tpu.memory_space<hbm>>
      tpu.enqueue_dma source(%dma_start3A_66 : memref<2x128xi32, #tpu.memory_space<hbm>>) target(%arg5 : memref<2x128xi32, #tpu.memory_space<vmem>>) target_semaphore(%run_scoped3A_62 : memref<!tpu.dma_semaphore, #tpu.memory_space<semaphore_mem>>)
      %dma_wait3A_67 = arith.constant 0 : i32
      %dma_wait3A_68 = tpu.memref_slice %arg3[%mul3A_2, %dma_wait3A_67] : memref<64x128xi32, #tpu.memory_space<hbm>> -> memref<2x128xi32, #tpu.memory_space<hbm>>
      %dma_wait3A_69 = arith.constant 0 : i32
      %dma_wait3A_70 = tpu.memref_slice %arg3[%mul3A_2, %dma_wait3A_69] : memref<64x128xi32, #tpu.memory_space<hbm>> -> memref<2x128xi32, #tpu.memory_space<hbm>>
      tpu.wait_dma2 semaphore(%run_scoped3A_62 : memref<!tpu.dma_semaphore, #tpu.memory_space<semaphore_mem>>) src(%dma_wait3A_70 : memref<2x128xi32, #tpu.memory_space<hbm>>) dst(%arg5 : memref<2x128xi32, #tpu.memory_space<vmem>>)
      tpu.yield
    }) : () -> ()
    %dma_start3A = arith.constant 0 : i32
    %dma_start3A_3 = arith.constant 0 : i32
    %dma_start3A_4 = arith.constant 0 : i32
    %dma_start3A_5 = arith.constant 0 : i32
    %dma_start3A_6 = tpu.memref_slice %arg6[%dma_start3A_3, %dma_start3A_4, %dma_start3A_5] : memref<2x128x128xf32, #tpu.memory_space<vmem>> -> memref<1x128x128xf32, #tpu.memory_space<vmem>>
    %dma_start3A_7 = tpu.memref_squeeze %dma_start3A_6 : memref<1x128x128xf32, #tpu.memory_space<vmem>> -> memref<128x128xf32, #tpu.memory_space<vmem>>
    %dma_start3A_8 = arith.constant 0 : i32
    %dma_start3A_9 = tpu.memref_slice %arg5[%dma_start3A, %dma_start3A_8] : memref<2x128xi32, #tpu.memory_space<vmem>> -> memref<1x128xi32, #tpu.memory_space<vmem>>
    %dma_start3A_10 = tpu.memref_squeeze %dma_start3A_9 : memref<1x128xi32, #tpu.memory_space<vmem>> -> memref<128xi32, #tpu.memory_space<vmem>>
    %dma_start3A_11 = arith.constant 0 : i32
    %dma_start3A_12 = arith.constant 0 : i32
    %dma_start3A_13 = tpu.memref_slice %arg2[%dma_start3A_11, %dma_start3A_12] : memref<131072x128xf32, #tpu.memory_space<hbm>> -> memref<131072x128xf32, #tpu.memory_space<hbm>>
    tpu.enqueue_indirect_dma source(%dma_start3A_13 : memref<131072x128xf32, #tpu.memory_space<hbm>>) target(%dma_start3A_7 : memref<128x128xf32, #tpu.memory_space<vmem>>) offsets(%dma_start3A_10 : memref<128xi32, #tpu.memory_space<vmem>>) semaphore(%arg7 : memref<!tpu.dma_semaphore, #tpu.memory_space<semaphore_mem>>)
    %dma_start3A_14 = arith.constant 1 : i32
    %dma_start3A_15 = arith.constant 1 : i32
    %dma_start3A_16 = arith.constant 0 : i32
    %dma_start3A_17 = arith.constant 0 : i32
    %dma_start3A_18 = tpu.memref_slice %arg6[%dma_start3A_15, %dma_start3A_16, %dma_start3A_17] : memref<2x128x128xf32, #tpu.memory_space<vmem>> -> memref<1x128x128xf32, #tpu.memory_space<vmem>>
    %dma_start3A_19 = tpu.memref_squeeze %dma_start3A_18 : memref<1x128x128xf32, #tpu.memory_space<vmem>> -> memref<128x128xf32, #tpu.memory_space<vmem>>
    %dma_start3A_20 = arith.constant 0 : i32
    %dma_start3A_21 = tpu.memref_slice %arg5[%dma_start3A_14, %dma_start3A_20] : memref<2x128xi32, #tpu.memory_space<vmem>> -> memref<1x128xi32, #tpu.memory_space<vmem>>
    %dma_start3A_22 = tpu.memref_squeeze %dma_start3A_21 : memref<1x128xi32, #tpu.memory_space<vmem>> -> memref<128xi32, #tpu.memory_space<vmem>>
    %dma_start3A_23 = arith.constant 0 : i32
    %dma_start3A_24 = arith.constant 0 : i32
    %dma_start3A_25 = tpu.memref_slice %arg2[%dma_start3A_23, %dma_start3A_24] : memref<131072x128xf32, #tpu.memory_space<hbm>> -> memref<131072x128xf32, #tpu.memory_space<hbm>>
    tpu.enqueue_indirect_dma source(%dma_start3A_25 : memref<131072x128xf32, #tpu.memory_space<hbm>>) target(%dma_start3A_19 : memref<128x128xf32, #tpu.memory_space<vmem>>) offsets(%dma_start3A_22 : memref<128xi32, #tpu.memory_space<vmem>>) semaphore(%arg7 : memref<!tpu.dma_semaphore, #tpu.memory_space<semaphore_mem>>)
    %dma_wait3A = arith.constant 0 : i32
    %dma_wait3A_26 = arith.constant 0 : i32
    %dma_wait3A_27 = arith.constant 0 : i32
    %dma_wait3A_28 = arith.constant 0 : i32
    %dma_wait3A_29 = tpu.memref_slice %arg6[%dma_wait3A_26, %dma_wait3A_27, %dma_wait3A_28] : memref<2x128x128xf32, #tpu.memory_space<vmem>> -> memref<1x128x128xf32, #tpu.memory_space<vmem>>
    %dma_wait3A_30 = tpu.memref_squeeze %dma_wait3A_29 : memref<1x128x128xf32, #tpu.memory_space<vmem>> -> memref<128x128xf32, #tpu.memory_space<vmem>>
    %dma_wait3A_31 = arith.constant 0 : i32
    %dma_wait3A_32 = tpu.memref_slice %arg5[%dma_wait3A, %dma_wait3A_31] : memref<2x128xi32, #tpu.memory_space<vmem>> -> memref<1x128xi32, #tpu.memory_space<vmem>>
    %dma_wait3A_33 = tpu.memref_squeeze %dma_wait3A_32 : memref<1x128xi32, #tpu.memory_space<vmem>> -> memref<128xi32, #tpu.memory_space<vmem>>
    %dma_wait3A_34 = arith.constant 0 : i32
    %dma_wait3A_35 = arith.constant 0 : i32
    %dma_wait3A_36 = tpu.memref_slice %arg2[%dma_wait3A_34, %dma_wait3A_35] : memref<131072x128xf32, #tpu.memory_space<hbm>> -> memref<131072x128xf32, #tpu.memory_space<hbm>>
    tpu.wait_indirect_dma semaphore(%arg7 : memref<!tpu.dma_semaphore, #tpu.memory_space<semaphore_mem>>) src(%dma_wait3A_36 : memref<131072x128xf32, #tpu.memory_space<hbm>>) dst(%dma_wait3A_30 : memref<128x128xf32, #tpu.memory_space<vmem>>)
    %mul3A_37 = arith.constant 2 : i32
    %mul3A_38 = arith.muli %add3A, %mul3A_37 : i32
    %add3A_39 = arith.constant 0 : i32
    %add3A_40 = arith.addi %mul3A_38, %add3A_39 : i32
    %mul3A_41 = arith.constant 128 : i32
    %mul3A_42 = arith.muli %add3A_40, %mul3A_41 : i32
    %run_scoped3A = arith.constant 0 : i32
    "tpu.region"() ({
      %run_scoped3A_62 = tpu.sem_alloc : memref<!tpu.dma_semaphore, #tpu.memory_space<semaphore_mem>>
      %dma_start3A_63 = arith.constant 0 : i32
      %dma_start3A_64 = arith.constant 0 : i32
      %dma_start3A_65 = tpu.memref_slice %arg6[%run_scoped3A, %dma_start3A_63, %dma_start3A_64] : memref<2x128x128xf32, #tpu.memory_space<vmem>> -> memref<1x128x128xf32, #tpu.memory_space<vmem>>
      %dma_start3A_66 = tpu.memref_squeeze %dma_start3A_65 : memref<1x128x128xf32, #tpu.memory_space<vmem>> -> memref<128x128xf32, #tpu.memory_space<vmem>>
      %dma_start3A_67 = arith.constant 0 : i32
      %dma_start3A_68 = tpu.memref_slice %arg4[%mul3A_42, %dma_start3A_67] : memref<8192x128xf32, #tpu.memory_space<hbm>> -> memref<128x128xf32, #tpu.memory_space<hbm>>
      %dma_start3A_69 = arith.constant 0 : i32
      %dma_start3A_70 = tpu.memref_slice %arg4[%mul3A_42, %dma_start3A_69] : memref<8192x128xf32, #tpu.memory_space<hbm>> -> memref<128x128xf32, #tpu.memory_space<hbm>>
      %dma_start3A_71 = arith.constant 0 : i32
      %dma_start3A_72 = arith.constant 0 : i32
      %dma_start3A_73 = tpu.memref_slice %arg6[%run_scoped3A, %dma_start3A_71, %dma_start3A_72] : memref<2x128x128xf32, #tpu.memory_space<vmem>> -> memref<1x128x128xf32, #tpu.memory_space<vmem>>
      %dma_start3A_74 = tpu.memref_squeeze %dma_start3A_73 : memref<1x128x128xf32, #tpu.memory_space<vmem>> -> memref<128x128xf32, #tpu.memory_space<vmem>>
      tpu.enqueue_dma source(%dma_start3A_74 : memref<128x128xf32, #tpu.memory_space<vmem>>) target(%dma_start3A_70 : memref<128x128xf32, #tpu.memory_space<hbm>>) target_semaphore(%run_scoped3A_62 : memref<!tpu.dma_semaphore, #tpu.memory_space<semaphore_mem>>)
      %dma_wait3A_75 = arith.constant 0 : i32
      %dma_wait3A_76 = arith.constant 0 : i32
      %dma_wait3A_77 = tpu.memref_slice %arg6[%run_scoped3A, %dma_wait3A_75, %dma_wait3A_76] : memref<2x128x128xf32, #tpu.memory_space<vmem>> -> memref<1x128x128xf32, #tpu.memory_space<vmem>>
      %dma_wait3A_78 = tpu.memref_squeeze %dma_wait3A_77 : memref<1x128x128xf32, #tpu.memory_space<vmem>> -> memref<128x128xf32, #tpu.memory_space<vmem>>
      %dma_wait3A_79 = arith.constant 0 : i32
      %dma_wait3A_80 = tpu.memref_slice %arg4[%mul3A_42, %dma_wait3A_79] : memref<8192x128xf32, #tpu.memory_space<hbm>> -> memref<128x128xf32, #tpu.memory_space<hbm>>
      %dma_wait3A_81 = arith.constant 0 : i32
      %dma_wait3A_82 = tpu.memref_slice %arg4[%mul3A_42, %dma_wait3A_81] : memref<8192x128xf32, #tpu.memory_space<hbm>> -> memref<128x128xf32, #tpu.memory_space<hbm>>
      %dma_wait3A_83 = arith.constant 0 : i32
      %dma_wait3A_84 = arith.constant 0 : i32
      %dma_wait3A_85 = tpu.memref_slice %arg6[%run_scoped3A, %dma_wait3A_83, %dma_wait3A_84] : memref<2x128x128xf32, #tpu.memory_space<vmem>> -> memref<1x128x128xf32, #tpu.memory_space<vmem>>
      %dma_wait3A_86 = tpu.memref_squeeze %dma_wait3A_85 : memref<1x128x128xf32, #tpu.memory_space<vmem>> -> memref<128x128xf32, #tpu.memory_space<vmem>>
      tpu.wait_dma2 semaphore(%run_scoped3A_62 : memref<!tpu.dma_semaphore, #tpu.memory_space<semaphore_mem>>) src(%dma_wait3A_86 : memref<128x128xf32, #tpu.memory_space<vmem>>) dst(%dma_wait3A_82 : memref<128x128xf32, #tpu.memory_space<hbm>>)
      tpu.yield
    }) : () -> ()
    %dma_wait3A_43 = arith.constant 1 : i32
    %dma_wait3A_44 = arith.constant 1 : i32
    %dma_wait3A_45 = arith.constant 0 : i32
    %dma_wait3A_46 = arith.constant 0 : i32
    %dma_wait3A_47 = tpu.memref_slice %arg6[%dma_wait3A_44, %dma_wait3A_45, %dma_wait3A_46] : memref<2x128x128xf32, #tpu.memory_space<vmem>> -> memref<1x128x128xf32, #tpu.memory_space<vmem>>
    %dma_wait3A_48 = tpu.memref_squeeze %dma_wait3A_47 : memref<1x128x128xf32, #tpu.memory_space<vmem>> -> memref<128x128xf32, #tpu.memory_space<vmem>>
    %dma_wait3A_49 = arith.constant 0 : i32
    %dma_wait3A_50 = tpu.memref_slice %arg5[%dma_wait3A_43, %dma_wait3A_49] : memref<2x128xi32, #tpu.memory_space<vmem>> -> memref<1x128xi32, #tpu.memory_space<vmem>>
    %dma_wait3A_51 = tpu.memref_squeeze %dma_wait3A_50 : memref<1x128xi32, #tpu.memory_space<vmem>> -> memref<128xi32, #tpu.memory_space<vmem>>
    %dma_wait3A_52 = arith.constant 0 : i32
    %dma_wait3A_53 = arith.constant 0 : i32
    %dma_wait3A_54 = tpu.memref_slice %arg2[%dma_wait3A_52, %dma_wait3A_53] : memref<131072x128xf32, #tpu.memory_space<hbm>> -> memref<131072x128xf32, #tpu.memory_space<hbm>>
    tpu.wait_indirect_dma semaphore(%arg7 : memref<!tpu.dma_semaphore, #tpu.memory_space<semaphore_mem>>) src(%dma_wait3A_54 : memref<131072x128xf32, #tpu.memory_space<hbm>>) dst(%dma_wait3A_48 : memref<128x128xf32, #tpu.memory_space<vmem>>)
    %mul3A_55 = arith.constant 2 : i32
    %mul3A_56 = arith.muli %add3A, %mul3A_55 : i32
    %add3A_57 = arith.constant 1 : i32
    %add3A_58 = arith.addi %mul3A_56, %add3A_57 : i32
    %mul3A_59 = arith.constant 128 : i32
    %mul3A_60 = arith.muli %add3A_58, %mul3A_59 : i32
    %run_scoped3A_61 = arith.constant 1 : i32
    "tpu.region"() ({
      %run_scoped3A_62 = tpu.sem_alloc : memref<!tpu.dma_semaphore, #tpu.memory_space<semaphore_mem>>
      %dma_start3A_63 = arith.constant 0 : i32
      %dma_start3A_64 = arith.constant 0 : i32
      %dma_start3A_65 = tpu.memref_slice %arg6[%run_scoped3A_61, %dma_start3A_63, %dma_start3A_64] : memref<2x128x128xf32, #tpu.memory_space<vmem>> -> memref<1x128x128xf32, #tpu.memory_space<vmem>>
      %dma_start3A_66 = tpu.memref_squeeze %dma_start3A_65 : memref<1x128x128xf32, #tpu.memory_space<vmem>> -> memref<128x128xf32, #tpu.memory_space<vmem>>
      %dma_start3A_67 = arith.constant 0 : i32
      %dma_start3A_68 = tpu.memref_slice %arg4[%mul3A_60, %dma_start3A_67] : memref<8192x128xf32, #tpu.memory_space<hbm>> -> memref<128x128xf32, #tpu.memory_space<hbm>>
      %dma_start3A_69 = arith.constant 0 : i32
      %dma_start3A_70 = tpu.memref_slice %arg4[%mul3A_60, %dma_start3A_69] : memref<8192x128xf32, #tpu.memory_space<hbm>> -> memref<128x128xf32, #tpu.memory_space<hbm>>
      %dma_start3A_71 = arith.constant 0 : i32
      %dma_start3A_72 = arith.constant 0 : i32
      %dma_start3A_73 = tpu.memref_slice %arg6[%run_scoped3A_61, %dma_start3A_71, %dma_start3A_72] : memref<2x128x128xf32, #tpu.memory_space<vmem>> -> memref<1x128x128xf32, #tpu.memory_space<vmem>>
      %dma_start3A_74 = tpu.memref_squeeze %dma_start3A_73 : memref<1x128x128xf32, #tpu.memory_space<vmem>> -> memref<128x128xf32, #tpu.memory_space<vmem>>
      tpu.enqueue_dma source(%dma_start3A_74 : memref<128x128xf32, #tpu.memory_space<vmem>>) target(%dma_start3A_70 : memref<128x128xf32, #tpu.memory_space<hbm>>) target_semaphore(%run_scoped3A_62 : memref<!tpu.dma_semaphore, #tpu.memory_space<semaphore_mem>>)
      %dma_wait3A_75 = arith.constant 0 : i32
      %dma_wait3A_76 = arith.constant 0 : i32
      %dma_wait3A_77 = tpu.memref_slice %arg6[%run_scoped3A_61, %dma_wait3A_75, %dma_wait3A_76] : memref<2x128x128xf32, #tpu.memory_space<vmem>> -> memref<1x128x128xf32, #tpu.memory_space<vmem>>
      %dma_wait3A_78 = tpu.memref_squeeze %dma_wait3A_77 : memref<1x128x128xf32, #tpu.memory_space<vmem>> -> memref<128x128xf32, #tpu.memory_space<vmem>>
      %dma_wait3A_79 = arith.constant 0 : i32
      %dma_wait3A_80 = tpu.memref_slice %arg4[%mul3A_60, %dma_wait3A_79] : memref<8192x128xf32, #tpu.memory_space<hbm>> -> memref<128x128xf32, #tpu.memory_space<hbm>>
      %dma_wait3A_81 = arith.constant 0 : i32
      %dma_wait3A_82 = tpu.memref_slice %arg4[%mul3A_60, %dma_wait3A_81] : memref<8192x128xf32, #tpu.memory_space<hbm>> -> memref<128x128xf32, #tpu.memory_space<hbm>>
      %dma_wait3A_83 = arith.constant 0 : i32
      %dma_wait3A_84 = arith.constant 0 : i32
      %dma_wait3A_85 = tpu.memref_slice %arg6[%run_scoped3A_61, %dma_wait3A_83, %dma_wait3A_84] : memref<2x128x128xf32, #tpu.memory_space<vmem>> -> memref<1x128x128xf32, #tpu.memory_space<vmem>>
      %dma_wait3A_86 = tpu.memref_squeeze %dma_wait3A_85 : memref<1x128x128xf32, #tpu.memory_space<vmem>> -> memref<128x128xf32, #tpu.memory_space<vmem>>
      tpu.wait_dma2 semaphore(%run_scoped3A_62 : memref<!tpu.dma_semaphore, #tpu.memory_space<semaphore_mem>>) src(%dma_wait3A_86 : memref<128x128xf32, #tpu.memory_space<vmem>>) dst(%dma_wait3A_82 : memref<128x128xf32, #tpu.memory_space<hbm>>)
      tpu.yield
    }) : () -> ()
    return
  }
}

module attributes {stable_mosaic.version = 14 : i64} {
  func.func @_select_body(%arg0: i32, %arg1: memref<8x128x128xf32, #tpu.memory_space<vmem>>, %arg2: memref<8x2048x128xf32, #tpu.memory_space<vmem>>, %arg3: memref<64x128xi32, #tpu.memory_space<vmem>>, %arg4: memref<64x2048xi32, #tpu.memory_space<vmem>>) attributes {dimension_semantics = [#tpu.dimension_semantics<arbitrary>], iteration_bounds = array<i64: 9>, scalar_prefetch = 0 : i64, scratch_operands = 1 : i64, tpu.core_type = #tpu.core_type<tc>, window_params = [{transform_indices = @transform_0, window_bounds = array<i64: 8, 128, 128>}, {transform_indices = @transform_1, window_bounds = array<i64: 8, 2048, 128>}, {pipeline_mode = #tpu.pipeline_mode<synchronous>, transform_indices = @transform_2, window_bounds = array<i64: 64, 128>}]} {
    %lt3A = arith.constant 8 : i32
    %lt3A_0 = arith.cmpi slt, %arg0, %lt3A : i32
    %convert_element_type3A = arith.extui %lt3A_0 : i1 to i32
    %cond3A = arith.constant 0 : i32
    %cond3A_1 = arith.cmpi ne, %convert_element_type3A, %cond3A : i32
    scf.if %cond3A_1 {
      %get3A = arith.constant 0 : index
      %get3A_6 = arith.constant 0 : index
      %get3A_7 = arith.constant 0 : index
      %get3A_8 = vector.load %arg1[%get3A, %get3A_6, %get3A_7] : memref<8x128x128xf32, #tpu.memory_space<vmem>>, vector<1x128x128xf32>
      %get3A_9 = vector.shape_cast %get3A_8 : vector<1x128x128xf32> to vector<128x128xf32>
      %convert_element_type3A_10 = arith.truncf %get3A_9 : vector<128x128xf32> to vector<128x128xbf16>
      %get3A_11 = arith.constant 0 : index
      %get3A_12 = arith.constant 0 : index
      %get3A_13 = arith.constant 0 : index
      %get3A_14 = vector.load %arg2[%get3A_11, %get3A_12, %get3A_13] : memref<8x2048x128xf32, #tpu.memory_space<vmem>>, vector<1x2048x128xf32>
      %get3A_15 = vector.shape_cast %get3A_14 : vector<1x2048x128xf32> to vector<2048x128xf32>
      %convert_element_type3A_16 = arith.truncf %get3A_15 : vector<2048x128xf32> to vector<2048x128xbf16>
      %dot_general3A = arith.constant dense<0.000000e+00> : vector<128x2048xf32>
      %dot_general3A_17 = tpu.matmul %convert_element_type3A_10, %convert_element_type3A_16, %dot_general3A {dimension_numbers = #tpu.dot_dimension_numbers<[1], [1], [0], [0], [0, 0, 1, 0], [], []>, transpose_lhs_hint = false} : vector<128x128xbf16>, vector<2048x128xbf16>, vector<128x2048xf32> -> vector<128x2048xf32>
      %reduce_max3A = arith.constant dense<0xFF800000> : vector<2048xf32>
      %reduce_max3A_18 = vector.multi_reduction <maximumf>, %dot_general3A_17, %reduce_max3A [0] : vector<128x2048xf32> to vector<2048xf32>
      %broadcast_in_dim3A = vector.shape_cast %reduce_max3A_18 : vector<2048xf32> to vector<1x2048xf32>
      %reduce_sum3A = arith.constant dense<0.000000e+00> : vector<2048xf32>
      %reduce_sum3A_19 = vector.multi_reduction <add>, %dot_general3A_17, %reduce_sum3A [0] : vector<128x2048xf32> to vector<2048xf32>
      %broadcast_in_dim3A_20 = vector.shape_cast %reduce_sum3A_19 : vector<2048xf32> to vector<1x2048xf32>
      %mul3A = arith.constant 4.8828125E-4 : f32
      %mul3A_21 = vector.broadcast %mul3A : f32 to vector<1x2048xf32>
      %mul3A_22 = arith.mulf %broadcast_in_dim3A_20, %mul3A_21 : vector<1x2048xf32>
      %sub3A = arith.subf %broadcast_in_dim3A, %mul3A_22 : vector<1x2048xf32>
      %get3A_23 = arith.constant 1 : index
      %get3A_24 = arith.constant 0 : index
      %get3A_25 = arith.constant 0 : index
      %get3A_26 = vector.load %arg1[%get3A_23, %get3A_24, %get3A_25] : memref<8x128x128xf32, #tpu.memory_space<vmem>>, vector<1x128x128xf32>
      %get3A_27 = vector.shape_cast %get3A_26 : vector<1x128x128xf32> to vector<128x128xf32>
      %convert_element_type3A_28 = arith.truncf %get3A_27 : vector<128x128xf32> to vector<128x128xbf16>
      %get3A_29 = arith.constant 1 : index
      %get3A_30 = arith.constant 0 : index
      %get3A_31 = arith.constant 0 : index
      %get3A_32 = vector.load %arg2[%get3A_29, %get3A_30, %get3A_31] : memref<8x2048x128xf32, #tpu.memory_space<vmem>>, vector<1x2048x128xf32>
      %get3A_33 = vector.shape_cast %get3A_32 : vector<1x2048x128xf32> to vector<2048x128xf32>
      %convert_element_type3A_34 = arith.truncf %get3A_33 : vector<2048x128xf32> to vector<2048x128xbf16>
      %dot_general3A_35 = arith.constant dense<0.000000e+00> : vector<128x2048xf32>
      %dot_general3A_36 = tpu.matmul %convert_element_type3A_28, %convert_element_type3A_34, %dot_general3A_35 {dimension_numbers = #tpu.dot_dimension_numbers<[1], [1], [0], [0], [0, 0, 1, 0], [], []>, transpose_lhs_hint = false} : vector<128x128xbf16>, vector<2048x128xbf16>, vector<128x2048xf32> -> vector<128x2048xf32>
      %reduce_max3A_37 = arith.constant dense<0xFF800000> : vector<2048xf32>
      %reduce_max3A_38 = vector.multi_reduction <maximumf>, %dot_general3A_36, %reduce_max3A_37 [0] : vector<128x2048xf32> to vector<2048xf32>
      %broadcast_in_dim3A_39 = vector.shape_cast %reduce_max3A_38 : vector<2048xf32> to vector<1x2048xf32>
      %reduce_sum3A_40 = arith.constant dense<0.000000e+00> : vector<2048xf32>
      %reduce_sum3A_41 = vector.multi_reduction <add>, %dot_general3A_36, %reduce_sum3A_40 [0] : vector<128x2048xf32> to vector<2048xf32>
      %broadcast_in_dim3A_42 = vector.shape_cast %reduce_sum3A_41 : vector<2048xf32> to vector<1x2048xf32>
      %mul3A_43 = arith.constant 4.8828125E-4 : f32
      %mul3A_44 = vector.broadcast %mul3A_43 : f32 to vector<1x2048xf32>
      %mul3A_45 = arith.mulf %broadcast_in_dim3A_42, %mul3A_44 : vector<1x2048xf32>
      %sub3A_46 = arith.subf %broadcast_in_dim3A_39, %mul3A_45 : vector<1x2048xf32>
      %get3A_47 = arith.constant 2 : index
      %get3A_48 = arith.constant 0 : index
      %get3A_49 = arith.constant 0 : index
      %get3A_50 = vector.load %arg1[%get3A_47, %get3A_48, %get3A_49] : memref<8x128x128xf32, #tpu.memory_space<vmem>>, vector<1x128x128xf32>
      %get3A_51 = vector.shape_cast %get3A_50 : vector<1x128x128xf32> to vector<128x128xf32>
      %convert_element_type3A_52 = arith.truncf %get3A_51 : vector<128x128xf32> to vector<128x128xbf16>
      %get3A_53 = arith.constant 2 : index
      %get3A_54 = arith.constant 0 : index
      %get3A_55 = arith.constant 0 : index
      %get3A_56 = vector.load %arg2[%get3A_53, %get3A_54, %get3A_55] : memref<8x2048x128xf32, #tpu.memory_space<vmem>>, vector<1x2048x128xf32>
      %get3A_57 = vector.shape_cast %get3A_56 : vector<1x2048x128xf32> to vector<2048x128xf32>
      %convert_element_type3A_58 = arith.truncf %get3A_57 : vector<2048x128xf32> to vector<2048x128xbf16>
      %dot_general3A_59 = arith.constant dense<0.000000e+00> : vector<128x2048xf32>
      %dot_general3A_60 = tpu.matmul %convert_element_type3A_52, %convert_element_type3A_58, %dot_general3A_59 {dimension_numbers = #tpu.dot_dimension_numbers<[1], [1], [0], [0], [0, 0, 1, 0], [], []>, transpose_lhs_hint = false} : vector<128x128xbf16>, vector<2048x128xbf16>, vector<128x2048xf32> -> vector<128x2048xf32>
      %reduce_max3A_61 = arith.constant dense<0xFF800000> : vector<2048xf32>
      %reduce_max3A_62 = vector.multi_reduction <maximumf>, %dot_general3A_60, %reduce_max3A_61 [0] : vector<128x2048xf32> to vector<2048xf32>
      %broadcast_in_dim3A_63 = vector.shape_cast %reduce_max3A_62 : vector<2048xf32> to vector<1x2048xf32>
      %reduce_sum3A_64 = arith.constant dense<0.000000e+00> : vector<2048xf32>
      %reduce_sum3A_65 = vector.multi_reduction <add>, %dot_general3A_60, %reduce_sum3A_64 [0] : vector<128x2048xf32> to vector<2048xf32>
      %broadcast_in_dim3A_66 = vector.shape_cast %reduce_sum3A_65 : vector<2048xf32> to vector<1x2048xf32>
      %mul3A_67 = arith.constant 4.8828125E-4 : f32
      %mul3A_68 = vector.broadcast %mul3A_67 : f32 to vector<1x2048xf32>
      %mul3A_69 = arith.mulf %broadcast_in_dim3A_66, %mul3A_68 : vector<1x2048xf32>
      %sub3A_70 = arith.subf %broadcast_in_dim3A_63, %mul3A_69 : vector<1x2048xf32>
      %get3A_71 = arith.constant 3 : index
      %get3A_72 = arith.constant 0 : index
      %get3A_73 = arith.constant 0 : index
      %get3A_74 = vector.load %arg1[%get3A_71, %get3A_72, %get3A_73] : memref<8x128x128xf32, #tpu.memory_space<vmem>>, vector<1x128x128xf32>
      %get3A_75 = vector.shape_cast %get3A_74 : vector<1x128x128xf32> to vector<128x128xf32>
      %convert_element_type3A_76 = arith.truncf %get3A_75 : vector<128x128xf32> to vector<128x128xbf16>
      %get3A_77 = arith.constant 3 : index
      %get3A_78 = arith.constant 0 : index
      %get3A_79 = arith.constant 0 : index
      %get3A_80 = vector.load %arg2[%get3A_77, %get3A_78, %get3A_79] : memref<8x2048x128xf32, #tpu.memory_space<vmem>>, vector<1x2048x128xf32>
      %get3A_81 = vector.shape_cast %get3A_80 : vector<1x2048x128xf32> to vector<2048x128xf32>
      %convert_element_type3A_82 = arith.truncf %get3A_81 : vector<2048x128xf32> to vector<2048x128xbf16>
      %dot_general3A_83 = arith.constant dense<0.000000e+00> : vector<128x2048xf32>
      %dot_general3A_84 = tpu.matmul %convert_element_type3A_76, %convert_element_type3A_82, %dot_general3A_83 {dimension_numbers = #tpu.dot_dimension_numbers<[1], [1], [0], [0], [0, 0, 1, 0], [], []>, transpose_lhs_hint = false} : vector<128x128xbf16>, vector<2048x128xbf16>, vector<128x2048xf32> -> vector<128x2048xf32>
      %reduce_max3A_85 = arith.constant dense<0xFF800000> : vector<2048xf32>
      %reduce_max3A_86 = vector.multi_reduction <maximumf>, %dot_general3A_84, %reduce_max3A_85 [0] : vector<128x2048xf32> to vector<2048xf32>
      %broadcast_in_dim3A_87 = vector.shape_cast %reduce_max3A_86 : vector<2048xf32> to vector<1x2048xf32>
      %reduce_sum3A_88 = arith.constant dense<0.000000e+00> : vector<2048xf32>
      %reduce_sum3A_89 = vector.multi_reduction <add>, %dot_general3A_84, %reduce_sum3A_88 [0] : vector<128x2048xf32> to vector<2048xf32>
      %broadcast_in_dim3A_90 = vector.shape_cast %reduce_sum3A_89 : vector<2048xf32> to vector<1x2048xf32>
      %mul3A_91 = arith.constant 4.8828125E-4 : f32
      %mul3A_92 = vector.broadcast %mul3A_91 : f32 to vector<1x2048xf32>
      %mul3A_93 = arith.mulf %broadcast_in_dim3A_90, %mul3A_92 : vector<1x2048xf32>
      %sub3A_94 = arith.subf %broadcast_in_dim3A_87, %mul3A_93 : vector<1x2048xf32>
      %get3A_95 = arith.constant 4 : index
      %get3A_96 = arith.constant 0 : index
      %get3A_97 = arith.constant 0 : index
      %get3A_98 = vector.load %arg1[%get3A_95, %get3A_96, %get3A_97] : memref<8x128x128xf32, #tpu.memory_space<vmem>>, vector<1x128x128xf32>
      %get3A_99 = vector.shape_cast %get3A_98 : vector<1x128x128xf32> to vector<128x128xf32>
      %convert_element_type3A_100 = arith.truncf %get3A_99 : vector<128x128xf32> to vector<128x128xbf16>
      %get3A_101 = arith.constant 4 : index
      %get3A_102 = arith.constant 0 : index
      %get3A_103 = arith.constant 0 : index
      %get3A_104 = vector.load %arg2[%get3A_101, %get3A_102, %get3A_103] : memref<8x2048x128xf32, #tpu.memory_space<vmem>>, vector<1x2048x128xf32>
      %get3A_105 = vector.shape_cast %get3A_104 : vector<1x2048x128xf32> to vector<2048x128xf32>
      %convert_element_type3A_106 = arith.truncf %get3A_105 : vector<2048x128xf32> to vector<2048x128xbf16>
      %dot_general3A_107 = arith.constant dense<0.000000e+00> : vector<128x2048xf32>
      %dot_general3A_108 = tpu.matmul %convert_element_type3A_100, %convert_element_type3A_106, %dot_general3A_107 {dimension_numbers = #tpu.dot_dimension_numbers<[1], [1], [0], [0], [0, 0, 1, 0], [], []>, transpose_lhs_hint = false} : vector<128x128xbf16>, vector<2048x128xbf16>, vector<128x2048xf32> -> vector<128x2048xf32>
      %reduce_max3A_109 = arith.constant dense<0xFF800000> : vector<2048xf32>
      %reduce_max3A_110 = vector.multi_reduction <maximumf>, %dot_general3A_108, %reduce_max3A_109 [0] : vector<128x2048xf32> to vector<2048xf32>
      %broadcast_in_dim3A_111 = vector.shape_cast %reduce_max3A_110 : vector<2048xf32> to vector<1x2048xf32>
      %reduce_sum3A_112 = arith.constant dense<0.000000e+00> : vector<2048xf32>
      %reduce_sum3A_113 = vector.multi_reduction <add>, %dot_general3A_108, %reduce_sum3A_112 [0] : vector<128x2048xf32> to vector<2048xf32>
      %broadcast_in_dim3A_114 = vector.shape_cast %reduce_sum3A_113 : vector<2048xf32> to vector<1x2048xf32>
      %mul3A_115 = arith.constant 4.8828125E-4 : f32
      %mul3A_116 = vector.broadcast %mul3A_115 : f32 to vector<1x2048xf32>
      %mul3A_117 = arith.mulf %broadcast_in_dim3A_114, %mul3A_116 : vector<1x2048xf32>
      %sub3A_118 = arith.subf %broadcast_in_dim3A_111, %mul3A_117 : vector<1x2048xf32>
      %get3A_119 = arith.constant 5 : index
      %get3A_120 = arith.constant 0 : index
      %get3A_121 = arith.constant 0 : index
      %get3A_122 = vector.load %arg1[%get3A_119, %get3A_120, %get3A_121] : memref<8x128x128xf32, #tpu.memory_space<vmem>>, vector<1x128x128xf32>
      %get3A_123 = vector.shape_cast %get3A_122 : vector<1x128x128xf32> to vector<128x128xf32>
      %convert_element_type3A_124 = arith.truncf %get3A_123 : vector<128x128xf32> to vector<128x128xbf16>
      %get3A_125 = arith.constant 5 : index
      %get3A_126 = arith.constant 0 : index
      %get3A_127 = arith.constant 0 : index
      %get3A_128 = vector.load %arg2[%get3A_125, %get3A_126, %get3A_127] : memref<8x2048x128xf32, #tpu.memory_space<vmem>>, vector<1x2048x128xf32>
      %get3A_129 = vector.shape_cast %get3A_128 : vector<1x2048x128xf32> to vector<2048x128xf32>
      %convert_element_type3A_130 = arith.truncf %get3A_129 : vector<2048x128xf32> to vector<2048x128xbf16>
      %dot_general3A_131 = arith.constant dense<0.000000e+00> : vector<128x2048xf32>
      %dot_general3A_132 = tpu.matmul %convert_element_type3A_124, %convert_element_type3A_130, %dot_general3A_131 {dimension_numbers = #tpu.dot_dimension_numbers<[1], [1], [0], [0], [0, 0, 1, 0], [], []>, transpose_lhs_hint = false} : vector<128x128xbf16>, vector<2048x128xbf16>, vector<128x2048xf32> -> vector<128x2048xf32>
      %reduce_max3A_133 = arith.constant dense<0xFF800000> : vector<2048xf32>
      %reduce_max3A_134 = vector.multi_reduction <maximumf>, %dot_general3A_132, %reduce_max3A_133 [0] : vector<128x2048xf32> to vector<2048xf32>
      %broadcast_in_dim3A_135 = vector.shape_cast %reduce_max3A_134 : vector<2048xf32> to vector<1x2048xf32>
      %reduce_sum3A_136 = arith.constant dense<0.000000e+00> : vector<2048xf32>
      %reduce_sum3A_137 = vector.multi_reduction <add>, %dot_general3A_132, %reduce_sum3A_136 [0] : vector<128x2048xf32> to vector<2048xf32>
      %broadcast_in_dim3A_138 = vector.shape_cast %reduce_sum3A_137 : vector<2048xf32> to vector<1x2048xf32>
      %mul3A_139 = arith.constant 4.8828125E-4 : f32
      %mul3A_140 = vector.broadcast %mul3A_139 : f32 to vector<1x2048xf32>
      %mul3A_141 = arith.mulf %broadcast_in_dim3A_138, %mul3A_140 : vector<1x2048xf32>
      %sub3A_142 = arith.subf %broadcast_in_dim3A_135, %mul3A_141 : vector<1x2048xf32>
      %get3A_143 = arith.constant 6 : index
      %get3A_144 = arith.constant 0 : index
      %get3A_145 = arith.constant 0 : index
      %get3A_146 = vector.load %arg1[%get3A_143, %get3A_144, %get3A_145] : memref<8x128x128xf32, #tpu.memory_space<vmem>>, vector<1x128x128xf32>
      %get3A_147 = vector.shape_cast %get3A_146 : vector<1x128x128xf32> to vector<128x128xf32>
      %convert_element_type3A_148 = arith.truncf %get3A_147 : vector<128x128xf32> to vector<128x128xbf16>
      %get3A_149 = arith.constant 6 : index
      %get3A_150 = arith.constant 0 : index
      %get3A_151 = arith.constant 0 : index
      %get3A_152 = vector.load %arg2[%get3A_149, %get3A_150, %get3A_151] : memref<8x2048x128xf32, #tpu.memory_space<vmem>>, vector<1x2048x128xf32>
      %get3A_153 = vector.shape_cast %get3A_152 : vector<1x2048x128xf32> to vector<2048x128xf32>
      %convert_element_type3A_154 = arith.truncf %get3A_153 : vector<2048x128xf32> to vector<2048x128xbf16>
      %dot_general3A_155 = arith.constant dense<0.000000e+00> : vector<128x2048xf32>
      %dot_general3A_156 = tpu.matmul %convert_element_type3A_148, %convert_element_type3A_154, %dot_general3A_155 {dimension_numbers = #tpu.dot_dimension_numbers<[1], [1], [0], [0], [0, 0, 1, 0], [], []>, transpose_lhs_hint = false} : vector<128x128xbf16>, vector<2048x128xbf16>, vector<128x2048xf32> -> vector<128x2048xf32>
      %reduce_max3A_157 = arith.constant dense<0xFF800000> : vector<2048xf32>
      %reduce_max3A_158 = vector.multi_reduction <maximumf>, %dot_general3A_156, %reduce_max3A_157 [0] : vector<128x2048xf32> to vector<2048xf32>
      %broadcast_in_dim3A_159 = vector.shape_cast %reduce_max3A_158 : vector<2048xf32> to vector<1x2048xf32>
      %reduce_sum3A_160 = arith.constant dense<0.000000e+00> : vector<2048xf32>
      %reduce_sum3A_161 = vector.multi_reduction <add>, %dot_general3A_156, %reduce_sum3A_160 [0] : vector<128x2048xf32> to vector<2048xf32>
      %broadcast_in_dim3A_162 = vector.shape_cast %reduce_sum3A_161 : vector<2048xf32> to vector<1x2048xf32>
      %mul3A_163 = arith.constant 4.8828125E-4 : f32
      %mul3A_164 = vector.broadcast %mul3A_163 : f32 to vector<1x2048xf32>
      %mul3A_165 = arith.mulf %broadcast_in_dim3A_162, %mul3A_164 : vector<1x2048xf32>
      %sub3A_166 = arith.subf %broadcast_in_dim3A_159, %mul3A_165 : vector<1x2048xf32>
      %get3A_167 = arith.constant 7 : index
      %get3A_168 = arith.constant 0 : index
      %get3A_169 = arith.constant 0 : index
      %get3A_170 = vector.load %arg1[%get3A_167, %get3A_168, %get3A_169] : memref<8x128x128xf32, #tpu.memory_space<vmem>>, vector<1x128x128xf32>
      %get3A_171 = vector.shape_cast %get3A_170 : vector<1x128x128xf32> to vector<128x128xf32>
      %convert_element_type3A_172 = arith.truncf %get3A_171 : vector<128x128xf32> to vector<128x128xbf16>
      %get3A_173 = arith.constant 7 : index
      %get3A_174 = arith.constant 0 : index
      %get3A_175 = arith.constant 0 : index
      %get3A_176 = vector.load %arg2[%get3A_173, %get3A_174, %get3A_175] : memref<8x2048x128xf32, #tpu.memory_space<vmem>>, vector<1x2048x128xf32>
      %get3A_177 = vector.shape_cast %get3A_176 : vector<1x2048x128xf32> to vector<2048x128xf32>
      %convert_element_type3A_178 = arith.truncf %get3A_177 : vector<2048x128xf32> to vector<2048x128xbf16>
      %dot_general3A_179 = arith.constant dense<0.000000e+00> : vector<128x2048xf32>
      %dot_general3A_180 = tpu.matmul %convert_element_type3A_172, %convert_element_type3A_178, %dot_general3A_179 {dimension_numbers = #tpu.dot_dimension_numbers<[1], [1], [0], [0], [0, 0, 1, 0], [], []>, transpose_lhs_hint = false} : vector<128x128xbf16>, vector<2048x128xbf16>, vector<128x2048xf32> -> vector<128x2048xf32>
      %reduce_max3A_181 = arith.constant dense<0xFF800000> : vector<2048xf32>
      %reduce_max3A_182 = vector.multi_reduction <maximumf>, %dot_general3A_180, %reduce_max3A_181 [0] : vector<128x2048xf32> to vector<2048xf32>
      %broadcast_in_dim3A_183 = vector.shape_cast %reduce_max3A_182 : vector<2048xf32> to vector<1x2048xf32>
      %reduce_sum3A_184 = arith.constant dense<0.000000e+00> : vector<2048xf32>
      %reduce_sum3A_185 = vector.multi_reduction <add>, %dot_general3A_180, %reduce_sum3A_184 [0] : vector<128x2048xf32> to vector<2048xf32>
      %broadcast_in_dim3A_186 = vector.shape_cast %reduce_sum3A_185 : vector<2048xf32> to vector<1x2048xf32>
      %mul3A_187 = arith.constant 4.8828125E-4 : f32
      %mul3A_188 = vector.broadcast %mul3A_187 : f32 to vector<1x2048xf32>
      %mul3A_189 = arith.mulf %broadcast_in_dim3A_186, %mul3A_188 : vector<1x2048xf32>
      %sub3A_190 = arith.subf %broadcast_in_dim3A_183, %mul3A_189 : vector<1x2048xf32>
      %concatenate3A = tpu.concatenate %sub3A, %sub3A_46, %sub3A_70, %sub3A_94, %sub3A_118, %sub3A_142, %sub3A_166, %sub3A_190 in 0 : vector<1x2048xf32>, vector<1x2048xf32>, vector<1x2048xf32>, vector<1x2048xf32>, vector<1x2048xf32>, vector<1x2048xf32>, vector<1x2048xf32>, vector<1x2048xf32> -> vector<8x2048xf32>
      %bitcast_convert_type3A = tpu.bitcast %concatenate3A : vector<8x2048xf32> -> vector<8x2048xi32>
      %lt3A_191 = arith.constant 0 : i32
      %lt3A_192 = vector.broadcast %lt3A_191 : i32 to vector<8x2048xi32>
      %lt3A_193 = arith.cmpi slt, %bitcast_convert_type3A, %lt3A_192 : vector<8x2048xi32>
      %xor3A = arith.constant 2147483647 : i32
      %xor3A_194 = vector.broadcast %xor3A : i32 to vector<8x2048xi32>
      %xor3A_195 = arith.xori %bitcast_convert_type3A, %xor3A_194 : vector<8x2048xi32>
      %select_n3A = arith.select %lt3A_193, %xor3A_195, %bitcast_convert_type3A : vector<8x2048xi1>, vector<8x2048xi32>
      %iota3A = tpu.iota {dimensions = array<i32: 1>} : vector<8x2048xi32>
      %and3A = arith.constant -2048 : i32
      %and3A_196 = vector.broadcast %and3A : i32 to vector<8x2048xi32>
      %and3A_197 = arith.andi %select_n3A, %and3A_196 : vector<8x2048xi32>
      %sub3A_198 = arith.constant 2047 : i32
      %sub3A_199 = vector.broadcast %sub3A_198 : i32 to vector<8x2048xi32>
      %sub3A_200 = arith.subi %sub3A_199, %iota3A : vector<8x2048xi32>
      %or3A = arith.ori %and3A_197, %sub3A_200 : vector<8x2048xi32>
      %mul3A_201 = arith.constant 8 : i32
      %mul3A_202 = arith.muli %mul3A_201, %arg0 : i32
      %swap3A = arith.index_cast %mul3A_202 : i32 to index
      %swap3A_203 = arith.constant 0 : index
      %swap3A_204 = vector.load %arg4[%swap3A, %swap3A_203] : memref<64x2048xi32, #tpu.memory_space<vmem>>, vector<8x2048xi32>
      tpu.vector_store %arg4[%swap3A, %swap3A_203], %or3A {strides = array<i32>} : memref<64x2048xi32, #tpu.memory_space<vmem>>, vector<8x2048xi32>,
    } else {
    }
    %eq3A = arith.constant 8 : i32
    %eq3A_2 = arith.cmpi eq, %arg0, %eq3A : i32
    %convert_element_type3A_3 = arith.extui %eq3A_2 : i1 to i32
    %cond3A_4 = arith.constant 0 : i32
    %cond3A_5 = arith.cmpi ne, %convert_element_type3A_3, %cond3A_4 : i32
    scf.if %cond3A_5 {
      %iota3A = tpu.iota {dimensions = array<i32: 1>} : vector<64x128xi32>
      %broadcast_in_dim3A = arith.constant 0 : i32
      %broadcast_in_dim3A_6 = vector.broadcast %broadcast_in_dim3A : i32 to vector<64x128xi32>
      %scan3A = arith.constant 0 : i32
      %scan3A_7 = arith.constant 128 : i32
      %scan3A_8 = arith.addi %scan3A, %scan3A_7 : i32
      %scan3A_9 = arith.constant 1 : i32
      %scan3A_10 = scf.for %scan3A_17 = %scan3A to %scan3A_8 step %scan3A_9 iter_args(%scan3A_18 = %broadcast_in_dim3A_6) -> (vector<64x128xi32>)  : i32 {
        %get3A = arith.constant 0 : index
        %get3A_19 = arith.constant 0 : index
        %get3A_20 = vector.load %arg4[%get3A, %get3A_19] : memref<64x2048xi32, #tpu.memory_space<vmem>>, vector<64x2048xi32>
        %reduce_max3A = arith.constant dense<-2147483648> : vector<64xi32>
        %reduce_max3A_21 = vector.multi_reduction <maxsi>, %get3A_20, %reduce_max3A [1] : vector<64x2048xi32> to vector<64xi32>
        %broadcast_in_dim3A_22 = vector.shape_cast %reduce_max3A_21 : vector<64xi32> to vector<64x1xi32>
        %and3A = arith.constant 2047 : i32
        %and3A_23 = vector.broadcast %and3A : i32 to vector<64x1xi32>
        %and3A_24 = arith.andi %broadcast_in_dim3A_22, %and3A_23 : vector<64x1xi32>
        %sub3A = arith.constant 2047 : i32
        %sub3A_25 = vector.broadcast %sub3A : i32 to vector<64x1xi32>
        %sub3A_26 = arith.subi %sub3A_25, %and3A_24 : vector<64x1xi32>
        %eq3A_27 = vector.broadcast %broadcast_in_dim3A_22 : vector<64x1xi32> to vector<64x2048xi32>
        %eq3A_28 = arith.cmpi eq, %get3A_20, %eq3A_27 : vector<64x2048xi32>
        %jit3A = arith.constant -2147483648 : i32
        %broadcast_in_dim3A_29 = vector.broadcast %jit3A : i32 to vector<64x2048xi32>
        %select_n3A = arith.select %eq3A_28, %broadcast_in_dim3A_29, %get3A_20 : vector<64x2048xi1>, vector<64x2048xi32>
        %swap3A_30 = arith.constant 0 : index
        %swap3A_31 = arith.constant 0 : index
        %swap3A_32 = vector.load %arg4[%swap3A_30, %swap3A_31] : memref<64x2048xi32, #tpu.memory_space<vmem>>, vector<64x2048xi32>
        tpu.vector_store %arg4[%swap3A_30, %swap3A_31], %select_n3A {strides = array<i32>} : memref<64x2048xi32, #tpu.memory_space<vmem>>, vector<64x2048xi32>,
        %eq3A_33 = vector.broadcast %scan3A_17 : i32 to vector<64x128xi32>
        %eq3A_34 = arith.cmpi eq, %iota3A, %eq3A_33 : vector<64x128xi32>
        %jit3A_35 = arith.constant 0 : i32
        %broadcast_in_dim3A_36 = vector.shape_cast %sub3A_26 : vector<64x1xi32> to vector<64x1xi32>
        %broadcast_in_dim3A_37 = vector.broadcast %broadcast_in_dim3A_36 : vector<64x1xi32> to vector<64x128xi32>
        %broadcast_in_dim3A_38 = vector.broadcast %jit3A_35 : i32 to vector<64x128xi32>
        %select_n3A_39 = arith.select %eq3A_34, %broadcast_in_dim3A_37, %broadcast_in_dim3A_38 : vector<64x128xi1>, vector<64x128xi32>
        %add3A_40 = arith.addi %scan3A_18, %select_n3A_39 : vector<64x128xi32>
        scf.yield %add3A_40 : vector<64x128xi32>
      }
      %scan3A_11 = arith.constant 128 : i32
      %iota3A_12 = tpu.iota {dimensions = array<i32: 0>} : vector<64x128xi32>
      %mul3A = arith.constant 2048 : i32
      %mul3A_13 = vector.broadcast %mul3A : i32 to vector<64x128xi32>
      %mul3A_14 = arith.muli %iota3A_12, %mul3A_13 : vector<64x128xi32>
      %add3A = arith.addi %scan3A_10, %mul3A_14 : vector<64x128xi32>
      %swap3A = arith.constant 0 : index
      %swap3A_15 = arith.constant 0 : index
      %swap3A_16 = vector.load %arg3[%swap3A, %swap3A_15] : memref<64x128xi32, #tpu.memory_space<vmem>>, vector<64x128xi32>
      tpu.vector_store %arg3[%swap3A, %swap3A_15], %add3A {strides = array<i32>} : memref<64x128xi32, #tpu.memory_space<vmem>>, vector<64x128xi32>,
    } else {
    }
    return
  }
  func.func @transform_0(%arg0: i32) -> (i32, i32, i32) {
    %min3A = arith.constant 7 : i32
    %min3A_0 = arith.minsi %arg0, %min3A : i32
    %c0_i32 = arith.constant 0 : i32
    %c0_i32_1 = arith.constant 0 : i32
    %c0_i32_2 = arith.constant 0 : i32
    return %min3A_0, %c0_i32, %c0_i32_1 : i32, i32, i32
  }
  func.func @transform_1(%arg0: i32) -> (i32, i32, i32) {
    %min3A = arith.constant 7 : i32
    %min3A_0 = arith.minsi %arg0, %min3A : i32
    %c0_i32 = arith.constant 0 : i32
    %c0_i32_1 = arith.constant 0 : i32
    %c0_i32_2 = arith.constant 0 : i32
    return %min3A_0, %c0_i32, %c0_i32_1 : i32, i32, i32
  }
  func.func @transform_2(%arg0: i32) -> (i32, i32) {
    %c0_i32 = arith.constant 0 : i32
    %c0_i32_0 = arith.constant 0 : i32
    %c0_i32_1 = arith.constant 0 : i32
    return %c0_i32, %c0_i32_0 : i32, i32
  }
}

module attributes {stable_mosaic.version = 14 : i64} {
  func.func @_attn_body(%arg0: i32, %arg1: memref<4x128x128xf32, #tpu.memory_space<vmem>>, %arg2: memref<4x2048x128xf32, #tpu.memory_space<vmem>>, %arg3: memref<4x2048x128xf32, #tpu.memory_space<vmem>>, %arg4: memref<4x2048x128xf32, #tpu.memory_space<vmem>>) attributes {dimension_semantics = [#tpu.dimension_semantics<arbitrary>], iteration_bounds = array<i64: 16>, scalar_prefetch = 0 : i64, scratch_operands = 0 : i64, tpu.core_type = #tpu.core_type<tc>, window_params = [{transform_indices = @transform_0, window_bounds = array<i64: 4, 128, 128>}, {transform_indices = @transform_1, window_bounds = array<i64: 4, 2048, 128>}, {transform_indices = @transform_2, window_bounds = array<i64: 4, 2048, 128>}, {transform_indices = @transform_3, window_bounds = array<i64: 4, 2048, 128>}]} {
    %get3A = arith.constant 0 : index
    %get3A_0 = arith.constant 0 : index
    %get3A_1 = arith.constant 0 : index
    %get3A_2 = vector.load %arg3[%get3A, %get3A_0, %get3A_1] : memref<4x2048x128xf32, #tpu.memory_space<vmem>>, vector<1x2048x128xf32>
    %get3A_3 = vector.shape_cast %get3A_2 : vector<1x2048x128xf32> to vector<2048x128xf32>
    %get3A_4 = arith.constant 0 : index
    %get3A_5 = arith.constant 0 : index
    %get3A_6 = arith.constant 0 : index
    %get3A_7 = vector.load %arg1[%get3A_4, %get3A_5, %get3A_6] : memref<4x128x128xf32, #tpu.memory_space<vmem>>, vector<1x128x128xf32>
    %get3A_8 = vector.shape_cast %get3A_7 : vector<1x128x128xf32> to vector<128x128xf32>
    %convert_element_type3A = arith.truncf %get3A_8 : vector<128x128xf32> to vector<128x128xbf16>
    %get3A_9 = arith.constant 0 : index
    %get3A_10 = arith.constant 0 : index
    %get3A_11 = arith.constant 0 : index
    %get3A_12 = vector.load %arg2[%get3A_9, %get3A_10, %get3A_11] : memref<4x2048x128xf32, #tpu.memory_space<vmem>>, vector<1x2048x128xf32>
    %get3A_13 = vector.shape_cast %get3A_12 : vector<1x2048x128xf32> to vector<2048x128xf32>
    %convert_element_type3A_14 = arith.truncf %get3A_13 : vector<2048x128xf32> to vector<2048x128xbf16>
    %dot_general3A = arith.constant dense<0.000000e+00> : vector<128x2048xf32>
    %dot_general3A_15 = tpu.matmul %convert_element_type3A, %convert_element_type3A_14, %dot_general3A {dimension_numbers = #tpu.dot_dimension_numbers<[1], [1], [0], [0], [0, 0, 1, 0], [], []>, transpose_lhs_hint = false} : vector<128x128xbf16>, vector<2048x128xbf16>, vector<128x2048xf32> -> vector<128x2048xf32>
    %mul3A = arith.constant 0.0883883461 : f32
    %mul3A_16 = vector.broadcast %mul3A : f32 to vector<128x2048xf32>
    %mul3A_17 = arith.mulf %dot_general3A_15, %mul3A_16 : vector<128x2048xf32>
    %reduce_max3A = arith.constant dense<0xFF800000> : vector<128xf32>
    %reduce_max3A_18 = vector.multi_reduction <maximumf>, %mul3A_17, %reduce_max3A [1] : vector<128x2048xf32> to vector<128xf32>
    %broadcast_in_dim3A = vector.shape_cast %reduce_max3A_18 : vector<128xf32> to vector<128x1xf32>
    %sub3A = vector.broadcast %broadcast_in_dim3A : vector<128x1xf32> to vector<128x2048xf32>
    %sub3A_19 = arith.subf %mul3A_17, %sub3A : vector<128x2048xf32>
    %exp3A = math.exp %sub3A_19 : vector<128x2048xf32>
    %reduce_sum3A = arith.constant dense<0.000000e+00> : vector<128xf32>
    %reduce_sum3A_20 = vector.multi_reduction <add>, %exp3A, %reduce_sum3A [1] : vector<128x2048xf32> to vector<128xf32>
    %broadcast_in_dim3A_21 = vector.shape_cast %reduce_sum3A_20 : vector<128xf32> to vector<128x1xf32>
    %div3A = vector.broadcast %broadcast_in_dim3A_21 : vector<128x1xf32> to vector<128x2048xf32>
    %div3A_22 = arith.divf %exp3A, %div3A : vector<128x2048xf32>
    %convert_element_type3A_23 = arith.truncf %div3A_22 : vector<128x2048xf32> to vector<128x2048xbf16>
    %convert_element_type3A_24 = arith.truncf %get3A_3 : vector<2048x128xf32> to vector<2048x128xbf16>
    %dot_general3A_25 = arith.constant dense<0.000000e+00> : vector<128x128xf32>
    %dot_general3A_26 = tpu.matmul %convert_element_type3A_23, %convert_element_type3A_24, %dot_general3A_25 {dimension_numbers = #tpu.dot_dimension_numbers<[1], [0], [0], [1], [0, 0, 1, 1], [], []>, transpose_lhs_hint = false} : vector<128x2048xbf16>, vector<2048x128xbf16>, vector<128x128xf32> -> vector<128x128xf32>
    %reduce_sum3A_27 = arith.constant dense<0.000000e+00> : vector<128xf32>
    %reduce_sum3A_28 = vector.multi_reduction <add>, %get3A_3, %reduce_sum3A_27 [0] : vector<2048x128xf32> to vector<128xf32>
    %broadcast_in_dim3A_29 = vector.shape_cast %reduce_sum3A_28 : vector<128xf32> to vector<1x128xf32>
    %broadcast_in_dim3A_30 = vector.shape_cast %broadcast_in_dim3A_29 : vector<1x128xf32> to vector<1x128xf32>
    %broadcast_in_dim3A_31 = vector.broadcast %broadcast_in_dim3A_30 : vector<1x128xf32> to vector<1920x128xf32>
    %concatenate3A = tpu.concatenate %dot_general3A_26, %broadcast_in_dim3A_31 in 0 : vector<128x128xf32>, vector<1920x128xf32> -> vector<2048x128xf32>
    %swap3A = arith.constant 0 : index
    %swap3A_32 = arith.constant 0 : index
    %swap3A_33 = arith.constant 0 : index
    %swap3A_34 = vector.load %arg4[%swap3A, %swap3A_32, %swap3A_33] : memref<4x2048x128xf32, #tpu.memory_space<vmem>>, vector<1x2048x128xf32>
    %swap3A_35 = vector.shape_cast %swap3A_34 : vector<1x2048x128xf32> to vector<2048x128xf32>
    %swap3A_36 = vector.shape_cast %concatenate3A : vector<2048x128xf32> to vector<1x2048x128xf32>
    tpu.vector_store %arg4[%swap3A, %swap3A_32, %swap3A_33], %swap3A_36 {strides = array<i32>} : memref<4x2048x128xf32, #tpu.memory_space<vmem>>, vector<1x2048x128xf32>,
    %get3A_37 = arith.constant 1 : index
    %get3A_38 = arith.constant 0 : index
    %get3A_39 = arith.constant 0 : index
    %get3A_40 = vector.load %arg3[%get3A_37, %get3A_38, %get3A_39] : memref<4x2048x128xf32, #tpu.memory_space<vmem>>, vector<1x2048x128xf32>
    %get3A_41 = vector.shape_cast %get3A_40 : vector<1x2048x128xf32> to vector<2048x128xf32>
    %get3A_42 = arith.constant 1 : index
    %get3A_43 = arith.constant 0 : index
    %get3A_44 = arith.constant 0 : index
    %get3A_45 = vector.load %arg1[%get3A_42, %get3A_43, %get3A_44] : memref<4x128x128xf32, #tpu.memory_space<vmem>>, vector<1x128x128xf32>
    %get3A_46 = vector.shape_cast %get3A_45 : vector<1x128x128xf32> to vector<128x128xf32>
    %convert_element_type3A_47 = arith.truncf %get3A_46 : vector<128x128xf32> to vector<128x128xbf16>
    %get3A_48 = arith.constant 1 : index
    %get3A_49 = arith.constant 0 : index
    %get3A_50 = arith.constant 0 : index
    %get3A_51 = vector.load %arg2[%get3A_48, %get3A_49, %get3A_50] : memref<4x2048x128xf32, #tpu.memory_space<vmem>>, vector<1x2048x128xf32>
    %get3A_52 = vector.shape_cast %get3A_51 : vector<1x2048x128xf32> to vector<2048x128xf32>
    %convert_element_type3A_53 = arith.truncf %get3A_52 : vector<2048x128xf32> to vector<2048x128xbf16>
    %dot_general3A_54 = arith.constant dense<0.000000e+00> : vector<128x2048xf32>
    %dot_general3A_55 = tpu.matmul %convert_element_type3A_47, %convert_element_type3A_53, %dot_general3A_54 {dimension_numbers = #tpu.dot_dimension_numbers<[1], [1], [0], [0], [0, 0, 1, 0], [], []>, transpose_lhs_hint = false} : vector<128x128xbf16>, vector<2048x128xbf16>, vector<128x2048xf32> -> vector<128x2048xf32>
    %mul3A_56 = arith.constant 0.0883883461 : f32
    %mul3A_57 = vector.broadcast %mul3A_56 : f32 to vector<128x2048xf32>
    %mul3A_58 = arith.mulf %dot_general3A_55, %mul3A_57 : vector<128x2048xf32>
    %reduce_max3A_59 = arith.constant dense<0xFF800000> : vector<128xf32>
    %reduce_max3A_60 = vector.multi_reduction <maximumf>, %mul3A_58, %reduce_max3A_59 [1] : vector<128x2048xf32> to vector<128xf32>
    %broadcast_in_dim3A_61 = vector.shape_cast %reduce_max3A_60 : vector<128xf32> to vector<128x1xf32>
    %sub3A_62 = vector.broadcast %broadcast_in_dim3A_61 : vector<128x1xf32> to vector<128x2048xf32>
    %sub3A_63 = arith.subf %mul3A_58, %sub3A_62 : vector<128x2048xf32>
    %exp3A_64 = math.exp %sub3A_63 : vector<128x2048xf32>
    %reduce_sum3A_65 = arith.constant dense<0.000000e+00> : vector<128xf32>
    %reduce_sum3A_66 = vector.multi_reduction <add>, %exp3A_64, %reduce_sum3A_65 [1] : vector<128x2048xf32> to vector<128xf32>
    %broadcast_in_dim3A_67 = vector.shape_cast %reduce_sum3A_66 : vector<128xf32> to vector<128x1xf32>
    %div3A_68 = vector.broadcast %broadcast_in_dim3A_67 : vector<128x1xf32> to vector<128x2048xf32>
    %div3A_69 = arith.divf %exp3A_64, %div3A_68 : vector<128x2048xf32>
    %convert_element_type3A_70 = arith.truncf %div3A_69 : vector<128x2048xf32> to vector<128x2048xbf16>
    %convert_element_type3A_71 = arith.truncf %get3A_41 : vector<2048x128xf32> to vector<2048x128xbf16>
    %dot_general3A_72 = arith.constant dense<0.000000e+00> : vector<128x128xf32>
    %dot_general3A_73 = tpu.matmul %convert_element_type3A_70, %convert_element_type3A_71, %dot_general3A_72 {dimension_numbers = #tpu.dot_dimension_numbers<[1], [0], [0], [1], [0, 0, 1, 1], [], []>, transpose_lhs_hint = false} : vector<128x2048xbf16>, vector<2048x128xbf16>, vector<128x128xf32> -> vector<128x128xf32>
    %reduce_sum3A_74 = arith.constant dense<0.000000e+00> : vector<128xf32>
    %reduce_sum3A_75 = vector.multi_reduction <add>, %get3A_41, %reduce_sum3A_74 [0] : vector<2048x128xf32> to vector<128xf32>
    %broadcast_in_dim3A_76 = vector.shape_cast %reduce_sum3A_75 : vector<128xf32> to vector<1x128xf32>
    %broadcast_in_dim3A_77 = vector.shape_cast %broadcast_in_dim3A_76 : vector<1x128xf32> to vector<1x128xf32>
    %broadcast_in_dim3A_78 = vector.broadcast %broadcast_in_dim3A_77 : vector<1x128xf32> to vector<1920x128xf32>
    %concatenate3A_79 = tpu.concatenate %dot_general3A_73, %broadcast_in_dim3A_78 in 0 : vector<128x128xf32>, vector<1920x128xf32> -> vector<2048x128xf32>
    %swap3A_80 = arith.constant 1 : index
    %swap3A_81 = arith.constant 0 : index
    %swap3A_82 = arith.constant 0 : index
    %swap3A_83 = vector.load %arg4[%swap3A_80, %swap3A_81, %swap3A_82] : memref<4x2048x128xf32, #tpu.memory_space<vmem>>, vector<1x2048x128xf32>
    %swap3A_84 = vector.shape_cast %swap3A_83 : vector<1x2048x128xf32> to vector<2048x128xf32>
    %swap3A_85 = vector.shape_cast %concatenate3A_79 : vector<2048x128xf32> to vector<1x2048x128xf32>
    tpu.vector_store %arg4[%swap3A_80, %swap3A_81, %swap3A_82], %swap3A_85 {strides = array<i32>} : memref<4x2048x128xf32, #tpu.memory_space<vmem>>, vector<1x2048x128xf32>,
    %get3A_86 = arith.constant 2 : index
    %get3A_87 = arith.constant 0 : index
    %get3A_88 = arith.constant 0 : index
    %get3A_89 = vector.load %arg3[%get3A_86, %get3A_87, %get3A_88] : memref<4x2048x128xf32, #tpu.memory_space<vmem>>, vector<1x2048x128xf32>
    %get3A_90 = vector.shape_cast %get3A_89 : vector<1x2048x128xf32> to vector<2048x128xf32>
    %get3A_91 = arith.constant 2 : index
    %get3A_92 = arith.constant 0 : index
    %get3A_93 = arith.constant 0 : index
    %get3A_94 = vector.load %arg1[%get3A_91, %get3A_92, %get3A_93] : memref<4x128x128xf32, #tpu.memory_space<vmem>>, vector<1x128x128xf32>
    %get3A_95 = vector.shape_cast %get3A_94 : vector<1x128x128xf32> to vector<128x128xf32>
    %convert_element_type3A_96 = arith.truncf %get3A_95 : vector<128x128xf32> to vector<128x128xbf16>
    %get3A_97 = arith.constant 2 : index
    %get3A_98 = arith.constant 0 : index
    %get3A_99 = arith.constant 0 : index
    %get3A_100 = vector.load %arg2[%get3A_97, %get3A_98, %get3A_99] : memref<4x2048x128xf32, #tpu.memory_space<vmem>>, vector<1x2048x128xf32>
    %get3A_101 = vector.shape_cast %get3A_100 : vector<1x2048x128xf32> to vector<2048x128xf32>
    %convert_element_type3A_102 = arith.truncf %get3A_101 : vector<2048x128xf32> to vector<2048x128xbf16>
    %dot_general3A_103 = arith.constant dense<0.000000e+00> : vector<128x2048xf32>
    %dot_general3A_104 = tpu.matmul %convert_element_type3A_96, %convert_element_type3A_102, %dot_general3A_103 {dimension_numbers = #tpu.dot_dimension_numbers<[1], [1], [0], [0], [0, 0, 1, 0], [], []>, transpose_lhs_hint = false} : vector<128x128xbf16>, vector<2048x128xbf16>, vector<128x2048xf32> -> vector<128x2048xf32>
    %mul3A_105 = arith.constant 0.0883883461 : f32
    %mul3A_106 = vector.broadcast %mul3A_105 : f32 to vector<128x2048xf32>
    %mul3A_107 = arith.mulf %dot_general3A_104, %mul3A_106 : vector<128x2048xf32>
    %reduce_max3A_108 = arith.constant dense<0xFF800000> : vector<128xf32>
    %reduce_max3A_109 = vector.multi_reduction <maximumf>, %mul3A_107, %reduce_max3A_108 [1] : vector<128x2048xf32> to vector<128xf32>
    %broadcast_in_dim3A_110 = vector.shape_cast %reduce_max3A_109 : vector<128xf32> to vector<128x1xf32>
    %sub3A_111 = vector.broadcast %broadcast_in_dim3A_110 : vector<128x1xf32> to vector<128x2048xf32>
    %sub3A_112 = arith.subf %mul3A_107, %sub3A_111 : vector<128x2048xf32>
    %exp3A_113 = math.exp %sub3A_112 : vector<128x2048xf32>
    %reduce_sum3A_114 = arith.constant dense<0.000000e+00> : vector<128xf32>
    %reduce_sum3A_115 = vector.multi_reduction <add>, %exp3A_113, %reduce_sum3A_114 [1] : vector<128x2048xf32> to vector<128xf32>
    %broadcast_in_dim3A_116 = vector.shape_cast %reduce_sum3A_115 : vector<128xf32> to vector<128x1xf32>
    %div3A_117 = vector.broadcast %broadcast_in_dim3A_116 : vector<128x1xf32> to vector<128x2048xf32>
    %div3A_118 = arith.divf %exp3A_113, %div3A_117 : vector<128x2048xf32>
    %convert_element_type3A_119 = arith.truncf %div3A_118 : vector<128x2048xf32> to vector<128x2048xbf16>
    %convert_element_type3A_120 = arith.truncf %get3A_90 : vector<2048x128xf32> to vector<2048x128xbf16>
    %dot_general3A_121 = arith.constant dense<0.000000e+00> : vector<128x128xf32>
    %dot_general3A_122 = tpu.matmul %convert_element_type3A_119, %convert_element_type3A_120, %dot_general3A_121 {dimension_numbers = #tpu.dot_dimension_numbers<[1], [0], [0], [1], [0, 0, 1, 1], [], []>, transpose_lhs_hint = false} : vector<128x2048xbf16>, vector<2048x128xbf16>, vector<128x128xf32> -> vector<128x128xf32>
    %reduce_sum3A_123 = arith.constant dense<0.000000e+00> : vector<128xf32>
    %reduce_sum3A_124 = vector.multi_reduction <add>, %get3A_90, %reduce_sum3A_123 [0] : vector<2048x128xf32> to vector<128xf32>
    %broadcast_in_dim3A_125 = vector.shape_cast %reduce_sum3A_124 : vector<128xf32> to vector<1x128xf32>
    %broadcast_in_dim3A_126 = vector.shape_cast %broadcast_in_dim3A_125 : vector<1x128xf32> to vector<1x128xf32>
    %broadcast_in_dim3A_127 = vector.broadcast %broadcast_in_dim3A_126 : vector<1x128xf32> to vector<1920x128xf32>
    %concatenate3A_128 = tpu.concatenate %dot_general3A_122, %broadcast_in_dim3A_127 in 0 : vector<128x128xf32>, vector<1920x128xf32> -> vector<2048x128xf32>
    %swap3A_129 = arith.constant 2 : index
    %swap3A_130 = arith.constant 0 : index
    %swap3A_131 = arith.constant 0 : index
    %swap3A_132 = vector.load %arg4[%swap3A_129, %swap3A_130, %swap3A_131] : memref<4x2048x128xf32, #tpu.memory_space<vmem>>, vector<1x2048x128xf32>
    %swap3A_133 = vector.shape_cast %swap3A_132 : vector<1x2048x128xf32> to vector<2048x128xf32>
    %swap3A_134 = vector.shape_cast %concatenate3A_128 : vector<2048x128xf32> to vector<1x2048x128xf32>
    tpu.vector_store %arg4[%swap3A_129, %swap3A_130, %swap3A_131], %swap3A_134 {strides = array<i32>} : memref<4x2048x128xf32, #tpu.memory_space<vmem>>, vector<1x2048x128xf32>,
    %get3A_135 = arith.constant 3 : index
    %get3A_136 = arith.constant 0 : index
    %get3A_137 = arith.constant 0 : index
    %get3A_138 = vector.load %arg3[%get3A_135, %get3A_136, %get3A_137] : memref<4x2048x128xf32, #tpu.memory_space<vmem>>, vector<1x2048x128xf32>
    %get3A_139 = vector.shape_cast %get3A_138 : vector<1x2048x128xf32> to vector<2048x128xf32>
    %get3A_140 = arith.constant 3 : index
    %get3A_141 = arith.constant 0 : index
    %get3A_142 = arith.constant 0 : index
    %get3A_143 = vector.load %arg1[%get3A_140, %get3A_141, %get3A_142] : memref<4x128x128xf32, #tpu.memory_space<vmem>>, vector<1x128x128xf32>
    %get3A_144 = vector.shape_cast %get3A_143 : vector<1x128x128xf32> to vector<128x128xf32>
    %convert_element_type3A_145 = arith.truncf %get3A_144 : vector<128x128xf32> to vector<128x128xbf16>
    %get3A_146 = arith.constant 3 : index
    %get3A_147 = arith.constant 0 : index
    %get3A_148 = arith.constant 0 : index
    %get3A_149 = vector.load %arg2[%get3A_146, %get3A_147, %get3A_148] : memref<4x2048x128xf32, #tpu.memory_space<vmem>>, vector<1x2048x128xf32>
    %get3A_150 = vector.shape_cast %get3A_149 : vector<1x2048x128xf32> to vector<2048x128xf32>
    %convert_element_type3A_151 = arith.truncf %get3A_150 : vector<2048x128xf32> to vector<2048x128xbf16>
    %dot_general3A_152 = arith.constant dense<0.000000e+00> : vector<128x2048xf32>
    %dot_general3A_153 = tpu.matmul %convert_element_type3A_145, %convert_element_type3A_151, %dot_general3A_152 {dimension_numbers = #tpu.dot_dimension_numbers<[1], [1], [0], [0], [0, 0, 1, 0], [], []>, transpose_lhs_hint = false} : vector<128x128xbf16>, vector<2048x128xbf16>, vector<128x2048xf32> -> vector<128x2048xf32>
    %mul3A_154 = arith.constant 0.0883883461 : f32
    %mul3A_155 = vector.broadcast %mul3A_154 : f32 to vector<128x2048xf32>
    %mul3A_156 = arith.mulf %dot_general3A_153, %mul3A_155 : vector<128x2048xf32>
    %reduce_max3A_157 = arith.constant dense<0xFF800000> : vector<128xf32>
    %reduce_max3A_158 = vector.multi_reduction <maximumf>, %mul3A_156, %reduce_max3A_157 [1] : vector<128x2048xf32> to vector<128xf32>
    %broadcast_in_dim3A_159 = vector.shape_cast %reduce_max3A_158 : vector<128xf32> to vector<128x1xf32>
    %sub3A_160 = vector.broadcast %broadcast_in_dim3A_159 : vector<128x1xf32> to vector<128x2048xf32>
    %sub3A_161 = arith.subf %mul3A_156, %sub3A_160 : vector<128x2048xf32>
    %exp3A_162 = math.exp %sub3A_161 : vector<128x2048xf32>
    %reduce_sum3A_163 = arith.constant dense<0.000000e+00> : vector<128xf32>
    %reduce_sum3A_164 = vector.multi_reduction <add>, %exp3A_162, %reduce_sum3A_163 [1] : vector<128x2048xf32> to vector<128xf32>
    %broadcast_in_dim3A_165 = vector.shape_cast %reduce_sum3A_164 : vector<128xf32> to vector<128x1xf32>
    %div3A_166 = vector.broadcast %broadcast_in_dim3A_165 : vector<128x1xf32> to vector<128x2048xf32>
    %div3A_167 = arith.divf %exp3A_162, %div3A_166 : vector<128x2048xf32>
    %convert_element_type3A_168 = arith.truncf %div3A_167 : vector<128x2048xf32> to vector<128x2048xbf16>
    %convert_element_type3A_169 = arith.truncf %get3A_139 : vector<2048x128xf32> to vector<2048x128xbf16>
    %dot_general3A_170 = arith.constant dense<0.000000e+00> : vector<128x128xf32>
    %dot_general3A_171 = tpu.matmul %convert_element_type3A_168, %convert_element_type3A_169, %dot_general3A_170 {dimension_numbers = #tpu.dot_dimension_numbers<[1], [0], [0], [1], [0, 0, 1, 1], [], []>, transpose_lhs_hint = false} : vector<128x2048xbf16>, vector<2048x128xbf16>, vector<128x128xf32> -> vector<128x128xf32>
    %reduce_sum3A_172 = arith.constant dense<0.000000e+00> : vector<128xf32>
    %reduce_sum3A_173 = vector.multi_reduction <add>, %get3A_139, %reduce_sum3A_172 [0] : vector<2048x128xf32> to vector<128xf32>
    %broadcast_in_dim3A_174 = vector.shape_cast %reduce_sum3A_173 : vector<128xf32> to vector<1x128xf32>
    %broadcast_in_dim3A_175 = vector.shape_cast %broadcast_in_dim3A_174 : vector<1x128xf32> to vector<1x128xf32>
    %broadcast_in_dim3A_176 = vector.broadcast %broadcast_in_dim3A_175 : vector<1x128xf32> to vector<1920x128xf32>
    %concatenate3A_177 = tpu.concatenate %dot_general3A_171, %broadcast_in_dim3A_176 in 0 : vector<128x128xf32>, vector<1920x128xf32> -> vector<2048x128xf32>
    %swap3A_178 = arith.constant 3 : index
    %swap3A_179 = arith.constant 0 : index
    %swap3A_180 = arith.constant 0 : index
    %swap3A_181 = vector.load %arg4[%swap3A_178, %swap3A_179, %swap3A_180] : memref<4x2048x128xf32, #tpu.memory_space<vmem>>, vector<1x2048x128xf32>
    %swap3A_182 = vector.shape_cast %swap3A_181 : vector<1x2048x128xf32> to vector<2048x128xf32>
    %swap3A_183 = vector.shape_cast %concatenate3A_177 : vector<2048x128xf32> to vector<1x2048x128xf32>
    tpu.vector_store %arg4[%swap3A_178, %swap3A_179, %swap3A_180], %swap3A_183 {strides = array<i32>} : memref<4x2048x128xf32, #tpu.memory_space<vmem>>, vector<1x2048x128xf32>,
    return
  }
  func.func @transform_0(%arg0: i32) -> (i32, i32, i32) {
    %c0_i32 = arith.constant 0 : i32
    %c0_i32_0 = arith.constant 0 : i32
    %c0_i32_1 = arith.constant 0 : i32
    return %arg0, %c0_i32, %c0_i32_0 : i32, i32, i32
  }
  func.func @transform_1(%arg0: i32) -> (i32, i32, i32) {
    %c0_i32 = arith.constant 0 : i32
    %c0_i32_0 = arith.constant 0 : i32
    %c0_i32_1 = arith.constant 0 : i32
    return %arg0, %c0_i32, %c0_i32_0 : i32, i32, i32
  }
  func.func @transform_2(%arg0: i32) -> (i32, i32, i32) {
    %c0_i32 = arith.constant 0 : i32
    %c0_i32_0 = arith.constant 0 : i32
    %c0_i32_1 = arith.constant 0 : i32
    return %arg0, %c0_i32, %c0_i32_0 : i32, i32, i32
  }
  func.func @transform_3(%arg0: i32) -> (i32, i32, i32) {
    %c0_i32 = arith.constant 0 : i32
    %c0_i32_0 = arith.constant 0 : i32
    %c0_i32_1 = arith.constant 0 : i32
    return %arg0, %c0_i32, %c0_i32_0 : i32, i32, i32
  }
}

</mosaic_0001>

<sc_bundles>
// kernel: kernel.6.cloned.1.call-start
scs
__scs_entry_jumppad:
0x0: {  	(pc) =	sbr.rel $0x88, $3  }
0x1: {  	(tag) =	ssettag $0x0;
	lr =	simm.s32 $0x1  }
0x2: {  	[smem:$0x3F9E] =	sst lr;
	_ =	strace $0xD0000000  }
0x3: {  	_ = 	snop  }
0x4: {  	_ = 	snop  }
0x5: {  	_ = 	snop  }
0x6: {  	_ = 	snop  }
0x7: {  	_ = 	snop  }
__scs_overlays_trampoline_lowered:
0x8: {  	[smem:$0x3FAD] =	sst s0  }
0x9: {  	[smem:$0x3FAE] =	sst s1  }
0xa: {  	[smem:$0x3FAF] =	sst s2  }
0xb: {  	[smem:$0x3FB0] =	sst s3  }
0xc: {  	[smem:$0x3FB1] =	sst s4  }
0xd: {  	[smem:$0x3FB2] =	sst s5  }
0xe: {  	[smem:$0x3FB3] =	sst s6  }
0xf: {  	[smem:$0x3FB4] =	sst s7  }
0x10: {  	[smem:$0x3FB5] =	sst s8  }
0x11: {  	[smem:$0x3FB6] =	sst s9;
	s0 =	simm.s32 @!p0 $0x0  }
0x12: {  	s1 =	sld [smem:$0x3F9C];
	s0 =	simm.s32 @p0 $0x1  }
0x13: {  	[smem:$0x3FB7] =	sst s0;
	s0 =	simm.s32 @!p1 $0x0  }
0x14: {  	s2 =	sld [smem:$0x3F9B];
	s0 =	simm.s32 @p1 $0x1  }
0x15: {  	[smem:$0x3FB8] =	sst s0;
	s0 =	simm.s32 @!p2 $0x0  }
0x16: {  	s3 =	sld [smem:$0x3FDB];
	s0 =	simm.s32 @p2 $0x1  }
0x17: {  	s4 =	simm.s32 $0x1BF5;
	[smem:$0x3FBA] =	sst s0  }
0x18: {  	s0 =	sld [smem:$0x3F9D];
	_ =	swait.ge [sflag:s4], $0x0  }
0x19: {  	s7 =	sld [smem:$0x3F9E]  }
0x1a: {  	s8 =	sadd.s32 $0xFFFFE003, lr  }
0x1b: {  	s9 =	sadd.s32 $0xFFFFFEF7, lr;
	s5 =	simm.s32 $0xFFFFFFFF;
	p2 =	slt.u32 s8, $0xFFFFF086  }
0x1c: {  	p1 =	slt.u32 s9, $0xF7A;
	s5 =	simm.s32 @!p2 $0x0  }
0x1d: {  	s5 =	simm.s32 @p1 $0x1;
	p0 =	seq.s32 s7, s2  }
0x1e: {  	s7 =	smul.u32 @!p0 $0xF7A, s2;
	p2 =	seq.s32 @!p0 s5, $0x0  }
0x1f: {  	s9 =	smul.u32 $0xF7A, s1;
	s8 =	simm.s32 @!p0 $0x1BF5;
	p2 =	por !p2, p0  }
0x20: {  	[sflag:s8] =	ssyncset.s32 @!p0 $0xFFFFF086;
	s6 =	sadd.s32 @!p0 s3, s7;
	s7 =	simm.s32 @!p0 $0x108  }
0x21: {  	s3 =	sadd.s32 s3, s9;
	s6 =	sadd.s32 @!p0 $0x88, s6;
	s7 =	simm.s32 @p2 $0x1082  }
0x22: {  	[simem:s7], [sflag:s8] =	dma.local @!p0 [hbm:s6], $0xF7A  }
0x23: {  	s9 =	sor.u32 $0xD0000000, s2;
	s6 =	simm.s32 $0x108;
	_ =	swait.ge @!p0 [sflag:s8], $0x0  }
0x24: {  	s3 =	sadd.s32 $0x88, s3;
	s6 =	simm.s32 @!p1 $0x1082;
	[sflag:s4] =	ssyncset.s32 $0xFFFFF086  }
0x25: {  	[simem:s6], [sflag:s4] =	dma.local [hbm:s3], $0xF7A  }
0x26: {  	[smem:$0x3F9E] =	sst s1;
	(tag) =	ssettag s2;
	_ =	strace s9  }
0x27: {  	s1 =	sld [smem:$0x3FAE]  }
0x28: {  	s2 =	sld [smem:$0x3FAF]  }
0x29: {  	s4 =	sld [smem:$0x3FB1]  }
0x2a: {  	p0 =	seq.s32 s5, $0x0;
	s5 =	sld [smem:$0x3FB2]  }
0x2b: {  	s6 =	sld [smem:$0x3FB3]  }
0x2c: {  	s7 =	sld [smem:$0x3FB4]  }
0x2d: {  	s3 =	simm.s32 $0x108;
	s8 =	sld [smem:$0x3FB5]  }
0x2e: {  	s3 =	simm.s32 @!p0 $0x1082;
	s9 =	sld [smem:$0x3FB6]  }
0x2f: {  	lr =	sadd.s32 s0, s3;
	s0 =	sld [smem:$0x3FAD]  }
0x30: {  	s3 =	sld [smem:$0x3FB0]  }
0x31: {  	[smem:$0x3FB9] =	sst s10  }
0x32: {  	s10 =	sld [smem:$0x3FB7];
	_ =	sdelay $0x3  }
0x33: {  	p0 =	seq.s32 s10, $0x1;
	s10 =	sld [smem:$0x3FB9];
	_ =	sdelay $0x3  }
0x34: {  	[smem:$0x3FB9] =	sst s10  }
0x35: {  	s10 =	sld [smem:$0x3FB8];
	_ =	sdelay $0x3  }
0x36: {  	p1 =	seq.s32 s10, $0x1;
	s10 =	sld [smem:$0x3FB9];
	_ =	sdelay $0x3  }
0x37: {  	[smem:$0x3FB9] =	sst s10  }
0x38: {  	s10 =	sld [smem:$0x3FBA]  }
0x39: {  	_ = 	snop;
	(pc) =	sbr.ind lr, $3  }
0x3a: {  	_ = 	snop  }
0x3b: {  	_ = 	snop  }
0x3c: {  	p2 =	seq.s32 s10, $0x1;
	s10 =	sld [smem:$0x3FB9]  }
0x3d: {  	_ =	shalt  }
0x3e: {  	_ =	shalt  }
0x3f: {  	_ =	shalt  }
0x40: {  	_ =	shalt  }
0x41: {  	_ =	shalt  }
0x42: {  	_ =	shalt  }
0x43: {  	_ =	shalt  }
0x44: {  	_ =	shalt  }
0x45: {  	_ =	shalt  }
0x46: {  	_ =	shalt  }
0x47: {  	_ =	shalt  }
0x48: {  	_ =	shalt  }
0x49: {  	_ =	shalt  }
0x4a: {  	_ =	shalt  }
0x4b: {  	_ =	shalt  }
0x4c: {  	_ =	shalt  }
0x4d: {  	_ =	shalt  }
0x4e: {  	_ =	shalt  }
0x4f: {  	_ =	shalt  }
0x50: {  	_ =	shalt  }
0x51: {  	_ =	shalt  }
0x52: {  	_ =	shalt  }
0x53: {  	_ =	shalt  }
0x54: {  	_ =	shalt  }
0x55: {  	_ =	shalt  }
0x56: {  	_ =	shalt  }
0x57: {  	_ =	shalt  }
0x58: {  	_ =	shalt  }
0x59: {  	_ =	shalt  }
0x5a: {  	_ =	shalt  }
0x5b: {  	_ =	shalt  }
0x5c: {  	_ =	shalt  }
0x5d: {  	_ =	shalt  }
0x5e: {  	_ =	shalt  }
0x5f: {  	_ =	shalt  }
0x60: {  	_ =	shalt  }
0x61: {  	_ =	shalt  }
0x62: {  	_ =	shalt  }
0x63: {  	_ =	shalt  }
0x64: {  	_ =	shalt  }
0x65: {  	_ =	shalt  }
0x66: {  	_ =	shalt  }
0x67: {  	_ =	shalt  }
0x68: {  	_ =	shalt  }
0x69: {  	_ =	shalt  }
0x6a: {  	_ =	shalt  }
0x6b: {  	_ =	shalt  }
0x6c: {  	_ =	shalt  }
0x6d: {  	_ =	shalt  }
0x6e: {  	_ =	shalt  }
0x6f: {  	_ =	shalt  }
0x70: {  	_ =	shalt  }
0x71: {  	_ =	shalt  }
0x72: {  	_ =	shalt  }
0x73: {  	_ =	shalt  }
0x74: {  	_ =	shalt  }
0x75: {  	_ =	shalt  }
0x76: {  	_ =	shalt  }
0x77: {  	_ =	shalt  }
0x78: {  	_ =	shalt  }
0x79: {  	_ =	shalt  }
0x7a: {  	_ =	shalt  }
0x7b: {  	_ =	shalt  }
0x7c: {  	_ =	shalt  }
0x7d: {  	_ =	shalt  }
0x7e: {  	_ =	shalt  }
0x7f: {  	_ =	shalt  }
0x80: {  	_ =	shalt  }
0x81: {  	_ =	shalt  }
0x82: {  	_ =	shalt  }
0x83: {  	_ =	shalt  }
0x84: {  	_ =	shalt  }
0x85: {  	_ =	shalt  }
0x86: {  	_ =	shalt  }
0x87: {  	_ =	shalt  }
.Lfunc_end0:
.L_simem_size_0:
called_computation_lowered:
.L_overlay_start_0:
0x88: {  	s2 =	sld [smem:$0x3FD9]  }
0x89: {  	s3 =	sld [smem:$0x3FFE];
	_ =	sdelay $0x1  }
0x8a: {  	s1 =	srdreg.scid  }
0x8b: {  	s0 =	sand.u32 $0x1, s1  }
0x8c: {  	s17 =	sshll.u32 s0, $0xA;
	s2 =	sadd.s32 s3, s2  }
0x8d: {  	s2 =	sadd.s32 s2, s17  }
0x8e: {  	[smem:$0x3FC5] =	sst s2  }
0x8f: {  	_ = 	snop  }
0x90: {  	s2 =	sld [smem:$0x3FC8]  }
0x91: {  	s18 =	sld [smem:$0x3FD0];
	(tm) =	ssettm $0x1  }
0x92: {  	s4 =	sld [smem:$0x3FFB];
	_ =	sdelay $0x3  }
0x93: {  	_ =	strace s4  }
0x94: {  	s4 =	sld [smem:$0x3FFC];
	_ =	sdelay $0x3  }
0x95: {  	_ =	strace s4  }
0x96: {  	s4 =	sld [smem:$0x3FFD];
	_ =	sdelay $0x3  }
0x97: {  	_ =	strace s4  }
0x98: {  	_ =	strace $0x8FFFFFFF  }
0x99: {  	s19 =	sld [smem:$0x3FDB];
	_ =	sdelay $0x1  }
0x9a: {  	s5 =	simm.s32 $_scs_section_size  }
0x9b: {  	s6 =	simm.s32 $_size__tile_overlayer_lowered;
	s7 =	simm.s32 $_tile_overlayer_lowered  }
0x9c: {  	s22 =	simm.s32 $0x1BFF;
	s21 =	sshll.u32 s7, $0x1;
	s4 =	sadd.s32 s5, s19  }
0x9d: {  	s8 =	simm.s32 $0x0;
	s20 =	sshll.u32 s6, $0x1;
	s6 =	sadd.s32 s21, s4  }
0x9e: {  	[timem:s8], [sflag:s22] =	dma.local [hbm:s6], s20  }
0x9f: {  	_ =	swait.ge [sflag:s22], s20  }
0xa0: {  	s5 =	ssub.s32 $0x0, s20;
	[sflag:s22] =	ssyncset.done $0x0  }
0xa1: {  	[sflag:s22] =	ssyncadd.s32 s5;
	_ =	sdelay $0x1  }
0xa2: {  	s23 =	simm.s32 $0x1B8B  }
0xa3: {  	_ =	swait.ge [sflag:s23], $0x1  }
0xa4: {  	[sflag:s23] =	ssyncset.done $0x0  }
0xa5: {  	s25 =	simm.s32 $0x1B8E;
	s24 =	sld [smem:$0x3FFE];
	[sflag:s23] =	ssyncadd.s32 $0xFFFFFFFF  }
0xa6: {  	s26 =	simm.s32 $execute0_lowered;
	[smem:$0x3FD2] =	sst s25  }
0xa7: {  	s6 =	sshll.u32 s26, $0x1;
	_ =	strace $0x80000046;
	[dreg:$0x1] =	wrdreg $0xFFFFFFFF  }
0xa8: {  	s28 =	simm.s32 $_size_execute0_lowered;
	s4 =	sadd.s32 s4, s6;
	[dreg:$0x0] =	wrdreg $0x0  }
0xa9: {  	s6 =	sshll.u32 s28, $0x1;
	[dreg:$0x2] =	wrdreg s4  }
0xaa: {  	[dreg:$0x3] =	wrdreg s6  }
0xab: {  	[dreg:$0x4] =	wrdreg $0xC0  }
0xac: {  	_ =	task [dreg:s8], $0x5FFFF  }
0xad: {  	[dreg:$0x1] =	wrdreg $0xFFFFFFFF  }
0xae: {  	[dreg:$0x0] =	wrdreg $0x60  }
0xaf: {  	[dreg:$0x2] =	wrdreg s2  }
0xb0: {  	[dreg:$0x3] =	wrdreg s24  }
0xb1: {  	[dreg:$0x4] =	wrdreg s18  }
0xb2: {  	[dreg:$0x5] =	wrdreg $0x9  }
0xb3: {  	_ =	task.clear_ibuf [dreg:s8], $0x6FFFF;
	_ =	strace $0x90000046  }
0xb4: {  	s29 =	simm.s32 $0x9;
	_ =	strace $0x80000048  }
0xb5: {  	_ =	swait.ge [sflag:s29], $0x1  }
0xb6: {  	[sflag:s29] =	ssyncadd.s32 $0xFFFFFFFF  }
0xb7: {  	_ =	strace $0x90000048  }
0xb8: {  	_ =	sfence  }
0xb9: {  	s30 =	sld [smem:$0x0];
	_ =	sdelay $0x2  }
0xba: {  	s31 =	sshll.u32 s1, $0xD;
	s1 =	sshrl.u32 s1, $0x2  }
0xbb: {  	s3 =	sand.u32 $0x4000, s31;
	s1 =	sadd.s32 s1, s30  }
0xbc: {  	s0 =	sor.u32 s3, s0;
	s1 =	sshll.u32 s1, $0x11  }
0xbd: {  	s0 =	sor.u32 s1, s0  }
0xbe: {  	s0 =	sadd.s32 $0x8F2B, s0  }
0xbf: {  	[sflag:s0] =	ssyncadd.remote.s32 $0x1  }
0xc0: {  	_ =	sfence.sel $0xFFFF  }
0xc1: {  	[dreg:$0x0] =	wrdreg $0xFFFFFFFF;
	(pc) =	sbr.abs _section_cstart, $3  }
0xc2: {  	[dreg:$0x1] =	wrdreg $0xFFFFFFFF  }
0xc3: {  	_ =	task.clear_ibuf [dreg:s8], $0x2FFFF;
	_ =	strace $0x9FFFFFFF  }
0xc4: {  	(tm) =	ssettm $0x7FFFFFFF  }
0xc5: {  	_ =	shalt  }
tec
execute0_lowered:
.L_overlay_start_1:
0x0: {  	(tag) =	ssettag $0x1  }
0x1: {  	s1 =	rddreg [dreg:$0x0]  }
0x2: {  	s2 =	srdreg.scid;
	s0 =	stileid.u32  }
0x3: {  	s4 =	rddreg [dreg:$0x1];
	s11 =	sand.u32 $0x1, s2;
	s30 =	sshll.u32 s0, $0x1  }
0x4: {  	s10 =	rddreg [dreg:$0x2];
	s12 =	sor.u32 s11, s30  }
0x5: {  	s3 =	simm.s32 $0x0;
	s2 =	rddreg [dreg:$0x3];
	s5 =	sshll.u32 s12, $0x5  }
0x6: {  	[smem:$0x7FF] =	sst s3;
	s4 =	sadd.s32 s5, s4  }
0x7: {  	_ =	strace $0x80000047;
	s5 =	sadd.s32 $0x1400, s4;
	s4 =	simm.s32 $0x2  }
0x8: {  	[tilespmem:s3], [sflag:$0x2] =	stream.linear.gather [hbm4b:s5+s3], $0x100, $0x38;
	[tilespmem:$0x8100] =	vst v63  }
0x9: {  	_ =	swait.ge [sflag:s4], $0x100  }
0xa: {  	[sflag:s4] =	ssyncset.done $0x0  }
0xb: {  	s6 =	simm.s32 $0x80;
	s7 =	simm.s32 $0x100;
	[sflag:s4] =	ssyncadd.s32 $0xFFFFFF00  }
0xc: {  	[tilespmem:s7], [sflag:$0x1] =	stream.indirect.gather [hbm4b:s1+s6], $0x80, s3, s6, $0xb8;
	[tilespmem:$0x8100] =	vst v63  }
0xd: {  	s8 =	simm.s32 $0x4100;
	s9 =	simm.s32 $0x1  }
0xe: {  	[tilespmem:s8], [sflag:$0x1] =	stream.indirect.gather [hbm4b:s1+s6], $0x80, s6, s6, $0xb8;
	[tilespmem:$0x8100] =	vst v63  }
0xf: {  	_ =	swait.ge [sflag:s9], $0x4000  }
0x10: {  	s12 =	sshll.u32 s12, $0xC;
	[sflag:s9] =	ssyncset.done $0x0  }
0x11: {  	s11 =	ssub.s32 $0x2, s11;
	s10 =	sadd.s32 s10, s12;
	[sflag:s9] =	ssyncadd.s32 $0xFFFFC000  }
0x12: {  	[hbm4b:s10+s3] =	stream.linear.scatter [tilespmem:s7], [sflag:$0x2], $0x4000, $0x38;
	[tilespmem:$0x8100] =	vst v63  }
0x13: {  	s31 =	sshrl.u32 s11, $0x1;
	_ =	swait.ge [sflag:s4], $0x4000  }
0x14: {  	s12 =	ssub.s32 s11, s31;
	[sflag:s4] =	ssyncset.done $0x0  }
0x15: {  	s12 =	smax.u32 s12, $0x1;
	[sflag:s4] =	ssyncadd.s32 $0xFFFFC000  }
0x16: {  	p0 =	sne.s32 s12, $0x1;
	_ =	swait.ge [sflag:s9], $0x4000  }
.Ltmp0:
0x17: {  	[sflag:s9] =	ssyncset.done $0x0;
	(pc) =	sbr.rel @!p0 .LBB2_2-.Ltmp0, $4  }
0x18: {  	s11 =	sadd.s32 $0x800, s10;
	[sflag:s9] =	ssyncadd.s32 $0xFFFFC000  }
0x19: {  	[hbm4b:s11+s3] =	stream.linear.scatter [tilespmem:s8], [sflag:$0x2], $0x4000, $0x38;
	[tilespmem:$0x8100] =	vst v63  }
0x1a: {  	_ =	swait.ge [sflag:s4], $0x4000  }
0x1b: {  	s12 =	sadd.s32 $0xFFFFFFFF, s12;
	[sflag:s4] =	ssyncset.done $0x0  }
.LBB2_1:
0x1c: {  	p0 =	sne.s32 s12, $0x1;
	s12 =	sadd.s32 $0xFFFFFFFF, s12;
	[sflag:s4] =	ssyncadd.s32 $0xFFFFC000  }
0x1d: {  	[tilespmem:s3], [sflag:$0x2] =	stream.linear.gather [hbm4b:s5+s3], $0x100, $0x38;
	[tilespmem:$0x8100] =	vst v63  }
0x1e: {  	_ =	swait.ge [sflag:s4], $0x100  }
0x1f: {  	[sflag:s4] =	ssyncset.done $0x0  }
0x20: {  	[sflag:s4] =	ssyncadd.s32 $0xFFFFFF00  }
0x21: {  	[tilespmem:s7], [sflag:$0x1] =	stream.indirect.gather [hbm4b:s1+s6], $0x80, s3, s6, $0xb8;
	[tilespmem:$0x8100] =	vst v63  }
0x22: {  	_ = 	snop  }
0x23: {  	[tilespmem:s8], [sflag:$0x1] =	stream.indirect.gather [hbm4b:s1+s6], $0x80, s6, s6, $0xb8;
	[tilespmem:$0x8100] =	vst v63  }
0x24: {  	_ =	swait.ge [sflag:s9], $0x4000  }
0x25: {  	[sflag:s9] =	ssyncset.done $0x0  }
0x26: {  	[sflag:s9] =	ssyncadd.s32 $0xFFFFC000  }
0x27: {  	[hbm4b:s10+s3] =	stream.linear.scatter [tilespmem:s7], [sflag:$0x2], $0x4000, $0x38;
	[tilespmem:$0x8100] =	vst v63  }
0x28: {  	_ =	swait.ge [sflag:s4], $0x4000  }
0x29: {  	[sflag:s4] =	ssyncset.done $0x0  }
0x2a: {  	[sflag:s4] =	ssyncadd.s32 $0xFFFFC000  }
0x2b: {  	_ =	swait.ge [sflag:s9], $0x4000  }
.Ltmp1:
0x2c: {  	[sflag:s9] =	ssyncset.done $0x0;
	(pc) =	sbr.rel @p0 .LBB2_1-.Ltmp1, $4  }
0x2d: {  	[sflag:s9] =	ssyncadd.s32 $0xFFFFC000  }
0x2e: {  	[hbm4b:s11+s3] =	stream.linear.scatter [tilespmem:s8], [sflag:$0x2], $0x4000, $0x38;
	[tilespmem:$0x8100] =	vst v63  }
0x2f: {  	_ =	swait.ge [sflag:s4], $0x4000  }
0x30: {  	[sflag:s4] =	ssyncset.done $0x0  }
.LBB2_2:
0x31: {  	[sflag:s4] =	ssyncadd.s32 $0xFFFFC000  }
0x32: {  	_ =	sfence.sel $0x180000  }
0x33: {  	[bflag:$0x0] =	sbarrier.arrive $0xFFFF  }
0x34: {  	p0 =	sne.s32 s0, $0x0;
	_ =	strace $0x90000047  }
0x35: {  	s0 =	sadd.s32 @!p0 $0x100000, s2;
	[bflag:$0x2] =	sbarrier.arrive $0xFFFF  }
0x36: {  	[sflag:s0] =	ssyncadd.tile.s32 @!p0 $0x1;
	_ =	shalt  }
.Lfunc_end2:
_tile_overlayer_lowered:
.L_overlay_start_2:
0x37: {  	(tag) =	ssettag $0x2  }
0x38: {  	s0 =	rddreg [dreg:$0x0];
	s2 =	stileid.u32  }
0x39: {  	s1 =	rddreg [dreg:$0x1];
	p0 =	sne.s32 s2, $0x0  }
0x3a: {  	s3 =	rddreg [dreg:$0x2];
	[bflag:$0x3] =	sbarrier.arrive $0xFFFF;
	s2 =	simm.s32 @!p0 $0x1C02  }
0x3b: {  	[timem:s3], [sflag:s2] =	dma.local @!p0 [hbm:s0], s1  }
0x3c: {  	s0 =	simm.s32 @!p0 $0x2  }
0x3d: {  	_ =	swait.ge @!p0 [sflag:s0], s1  }
0x3e: {  	s1 =	ssub.s32 @!p0 $0x0, s1;
	[sflag:s0] =	ssyncset.done @!p0 $0x0  }
0x3f: {  	[sflag:s0] =	ssyncadd.s32 @!p0 s1  }
0x40: {  	[bflag:$0x3] =	sbarrier.arrive $0xFFFF  }
0x41: {  	_ =	shalt  }

// kernel: kernel.9.cloned.1.call-start
scs
__scs_entry_jumppad:
0x0: {  	(pc) =	sbr.rel $0x88, $3  }
0x1: {  	(tag) =	ssettag $0x0;
	lr =	simm.s32 $0x1  }
0x2: {  	[smem:$0x3F9E] =	sst lr;
	_ =	strace $0xD0000000  }
0x3: {  	_ = 	snop  }
0x4: {  	_ = 	snop  }
0x5: {  	_ = 	snop  }
0x6: {  	_ = 	snop  }
0x7: {  	_ = 	snop  }
__scs_overlays_trampoline_lowered:
0x8: {  	[smem:$0x3FAD] =	sst s0  }
0x9: {  	[smem:$0x3FAE] =	sst s1  }
0xa: {  	[smem:$0x3FAF] =	sst s2  }
0xb: {  	[smem:$0x3FB0] =	sst s3  }
0xc: {  	[smem:$0x3FB1] =	sst s4  }
0xd: {  	[smem:$0x3FB2] =	sst s5  }
0xe: {  	[smem:$0x3FB3] =	sst s6  }
0xf: {  	[smem:$0x3FB4] =	sst s7  }
0x10: {  	[smem:$0x3FB5] =	sst s8  }
0x11: {  	[smem:$0x3FB6] =	sst s9;
	s0 =	simm.s32 @!p0 $0x0  }
0x12: {  	s1 =	sld [smem:$0x3F9C];
	s0 =	simm.s32 @p0 $0x1  }
0x13: {  	[smem:$0x3FB7] =	sst s0;
	s0 =	simm.s32 @!p1 $0x0  }
0x14: {  	s2 =	sld [smem:$0x3F9B];
	s0 =	simm.s32 @p1 $0x1  }
0x15: {  	[smem:$0x3FB8] =	sst s0;
	s0 =	simm.s32 @!p2 $0x0  }
0x16: {  	s3 =	sld [smem:$0x3FDB];
	s0 =	simm.s32 @p2 $0x1  }
0x17: {  	s4 =	simm.s32 $0x1BF5;
	[smem:$0x3FBA] =	sst s0  }
0x18: {  	s0 =	sld [smem:$0x3F9D];
	_ =	swait.ge [sflag:s4], $0x0  }
0x19: {  	s7 =	sld [smem:$0x3F9E]  }
0x1a: {  	s8 =	sadd.s32 $0xFFFFE003, lr  }
0x1b: {  	s9 =	sadd.s32 $0xFFFFFEF7, lr;
	s5 =	simm.s32 $0xFFFFFFFF;
	p2 =	slt.u32 s8, $0xFFFFF086  }
0x1c: {  	p1 =	slt.u32 s9, $0xF7A;
	s5 =	simm.s32 @!p2 $0x0  }
0x1d: {  	s5 =	simm.s32 @p1 $0x1;
	p0 =	seq.s32 s7, s2  }
0x1e: {  	s7 =	smul.u32 @!p0 $0xF7A, s2;
	p2 =	seq.s32 @!p0 s5, $0x0  }
0x1f: {  	s9 =	smul.u32 $0xF7A, s1;
	s8 =	simm.s32 @!p0 $0x1BF5;
	p2 =	por !p2, p0  }
0x20: {  	[sflag:s8] =	ssyncset.s32 @!p0 $0xFFFFF086;
	s6 =	sadd.s32 @!p0 s3, s7;
	s7 =	simm.s32 @!p0 $0x108  }
0x21: {  	s3 =	sadd.s32 s3, s9;
	s6 =	sadd.s32 @!p0 $0x88, s6;
	s7 =	simm.s32 @p2 $0x1082  }
0x22: {  	[simem:s7], [sflag:s8] =	dma.local @!p0 [hbm:s6], $0xF7A  }
0x23: {  	s9 =	sor.u32 $0xD0000000, s2;
	s6 =	simm.s32 $0x108;
	_ =	swait.ge @!p0 [sflag:s8], $0x0  }
0x24: {  	s3 =	sadd.s32 $0x88, s3;
	s6 =	simm.s32 @!p1 $0x1082;
	[sflag:s4] =	ssyncset.s32 $0xFFFFF086  }
0x25: {  	[simem:s6], [sflag:s4] =	dma.local [hbm:s3], $0xF7A  }
0x26: {  	[smem:$0x3F9E] =	sst s1;
	(tag) =	ssettag s2;
	_ =	strace s9  }
0x27: {  	s1 =	sld [smem:$0x3FAE]  }
0x28: {  	s2 =	sld [smem:$0x3FAF]  }
0x29: {  	s4 =	sld [smem:$0x3FB1]  }
0x2a: {  	p0 =	seq.s32 s5, $0x0;
	s5 =	sld [smem:$0x3FB2]  }
0x2b: {  	s6 =	sld [smem:$0x3FB3]  }
0x2c: {  	s7 =	sld [smem:$0x3FB4]  }
0x2d: {  	s3 =	simm.s32 $0x108;
	s8 =	sld [smem:$0x3FB5]  }
0x2e: {  	s3 =	simm.s32 @!p0 $0x1082;
	s9 =	sld [smem:$0x3FB6]  }
0x2f: {  	lr =	sadd.s32 s0, s3;
	s0 =	sld [smem:$0x3FAD]  }
0x30: {  	s3 =	sld [smem:$0x3FB0]  }
0x31: {  	[smem:$0x3FB9] =	sst s10  }
0x32: {  	s10 =	sld [smem:$0x3FB7];
	_ =	sdelay $0x3  }
0x33: {  	p0 =	seq.s32 s10, $0x1;
	s10 =	sld [smem:$0x3FB9];
	_ =	sdelay $0x3  }
0x34: {  	[smem:$0x3FB9] =	sst s10  }
0x35: {  	s10 =	sld [smem:$0x3FB8];
	_ =	sdelay $0x3  }
0x36: {  	p1 =	seq.s32 s10, $0x1;
	s10 =	sld [smem:$0x3FB9];
	_ =	sdelay $0x3  }
0x37: {  	[smem:$0x3FB9] =	sst s10  }
0x38: {  	s10 =	sld [smem:$0x3FBA]  }
0x39: {  	_ = 	snop;
	(pc) =	sbr.ind lr, $3  }
0x3a: {  	_ = 	snop  }
0x3b: {  	_ = 	snop  }
0x3c: {  	p2 =	seq.s32 s10, $0x1;
	s10 =	sld [smem:$0x3FB9]  }
0x3d: {  	_ =	shalt  }
0x3e: {  	_ =	shalt  }
0x3f: {  	_ =	shalt  }
0x40: {  	_ =	shalt  }
0x41: {  	_ =	shalt  }
0x42: {  	_ =	shalt  }
0x43: {  	_ =	shalt  }
0x44: {  	_ =	shalt  }
0x45: {  	_ =	shalt  }
0x46: {  	_ =	shalt  }
0x47: {  	_ =	shalt  }
0x48: {  	_ =	shalt  }
0x49: {  	_ =	shalt  }
0x4a: {  	_ =	shalt  }
0x4b: {  	_ =	shalt  }
0x4c: {  	_ =	shalt  }
0x4d: {  	_ =	shalt  }
0x4e: {  	_ =	shalt  }
0x4f: {  	_ =	shalt  }
0x50: {  	_ =	shalt  }
0x51: {  	_ =	shalt  }
0x52: {  	_ =	shalt  }
0x53: {  	_ =	shalt  }
0x54: {  	_ =	shalt  }
0x55: {  	_ =	shalt  }
0x56: {  	_ =	shalt  }
0x57: {  	_ =	shalt  }
0x58: {  	_ =	shalt  }
0x59: {  	_ =	shalt  }
0x5a: {  	_ =	shalt  }
0x5b: {  	_ =	shalt  }
0x5c: {  	_ =	shalt  }
0x5d: {  	_ =	shalt  }
0x5e: {  	_ =	shalt  }
0x5f: {  	_ =	shalt  }
0x60: {  	_ =	shalt  }
0x61: {  	_ =	shalt  }
0x62: {  	_ =	shalt  }
0x63: {  	_ =	shalt  }
0x64: {  	_ =	shalt  }
0x65: {  	_ =	shalt  }
0x66: {  	_ =	shalt  }
0x67: {  	_ =	shalt  }
0x68: {  	_ =	shalt  }
0x69: {  	_ =	shalt  }
0x6a: {  	_ =	shalt  }
0x6b: {  	_ =	shalt  }
0x6c: {  	_ =	shalt  }
0x6d: {  	_ =	shalt  }
0x6e: {  	_ =	shalt  }
0x6f: {  	_ =	shalt  }
0x70: {  	_ =	shalt  }
0x71: {  	_ =	shalt  }
0x72: {  	_ =	shalt  }
0x73: {  	_ =	shalt  }
0x74: {  	_ =	shalt  }
0x75: {  	_ =	shalt  }
0x76: {  	_ =	shalt  }
0x77: {  	_ =	shalt  }
0x78: {  	_ =	shalt  }
0x79: {  	_ =	shalt  }
0x7a: {  	_ =	shalt  }
0x7b: {  	_ =	shalt  }
0x7c: {  	_ =	shalt  }
0x7d: {  	_ =	shalt  }
0x7e: {  	_ =	shalt  }
0x7f: {  	_ =	shalt  }
0x80: {  	_ =	shalt  }
0x81: {  	_ =	shalt  }
0x82: {  	_ =	shalt  }
0x83: {  	_ =	shalt  }
0x84: {  	_ =	shalt  }
0x85: {  	_ =	shalt  }
0x86: {  	_ =	shalt  }
0x87: {  	_ =	shalt  }
.Lfunc_end0:
.L_simem_size_0:
called_computation.1_lowered:
.L_overlay_start_0:
0x88: {  	s2 =	sld [smem:$0x3FD9]  }
0x89: {  	s3 =	sld [smem:$0x3FFE];
	_ =	sdelay $0x1  }
0x8a: {  	s1 =	srdreg.scid  }
0x8b: {  	s0 =	sand.u32 $0x1, s1  }
0x8c: {  	s17 =	sshll.u32 s0, $0xA;
	s2 =	sadd.s32 s3, s2  }
0x8d: {  	s2 =	sadd.s32 s2, s17  }
0x8e: {  	[smem:$0x3FC5] =	sst s2  }
0x8f: {  	_ = 	snop  }
0x90: {  	s2 =	sld [smem:$0x3FC9]  }
0x91: {  	s18 =	sld [smem:$0x3FD0];
	(tm) =	ssettm $0x1  }
0x92: {  	s4 =	sld [smem:$0x3FFB];
	_ =	sdelay $0x3  }
0x93: {  	_ =	strace s4  }
0x94: {  	s4 =	sld [smem:$0x3FFC];
	_ =	sdelay $0x3  }
0x95: {  	_ =	strace s4  }
0x96: {  	s4 =	sld [smem:$0x3FFD];
	_ =	sdelay $0x3  }
0x97: {  	_ =	strace s4  }
0x98: {  	_ =	strace $0x8FFFFFFF  }
0x99: {  	s19 =	sld [smem:$0x3FDB];
	_ =	sdelay $0x1  }
0x9a: {  	s5 =	simm.s32 $_scs_section_size  }
0x9b: {  	s6 =	simm.s32 $_size__tile_overlayer_lowered;
	s7 =	simm.s32 $_tile_overlayer_lowered  }
0x9c: {  	s22 =	simm.s32 $0x1BFF;
	s21 =	sshll.u32 s7, $0x1;
	s4 =	sadd.s32 s5, s19  }
0x9d: {  	s8 =	simm.s32 $0x0;
	s20 =	sshll.u32 s6, $0x1;
	s6 =	sadd.s32 s21, s4  }
0x9e: {  	[timem:s8], [sflag:s22] =	dma.local [hbm:s6], s20  }
0x9f: {  	_ =	swait.ge [sflag:s22], s20  }
0xa0: {  	s5 =	ssub.s32 $0x0, s20;
	[sflag:s22] =	ssyncset.done $0x0  }
0xa1: {  	[sflag:s22] =	ssyncadd.s32 s5;
	_ =	sdelay $0x1  }
0xa2: {  	s23 =	simm.s32 $0x1B8B  }
0xa3: {  	_ =	swait.ge [sflag:s23], $0x1  }
0xa4: {  	[sflag:s23] =	ssyncset.done $0x0  }
0xa5: {  	s25 =	simm.s32 $0x1B8E;
	s24 =	sld [smem:$0x3FFE];
	[sflag:s23] =	ssyncadd.s32 $0xFFFFFFFF  }
0xa6: {  	s26 =	simm.s32 $execute0_lowered;
	[smem:$0x3FD2] =	sst s25  }
0xa7: {  	s6 =	sshll.u32 s26, $0x1;
	_ =	strace $0x80000049;
	[dreg:$0x1] =	wrdreg $0xFFFFFFFF  }
0xa8: {  	s28 =	simm.s32 $_size_execute0_lowered;
	s4 =	sadd.s32 s4, s6;
	[dreg:$0x0] =	wrdreg $0x0  }
0xa9: {  	s6 =	sshll.u32 s28, $0x1;
	[dreg:$0x2] =	wrdreg s4  }
0xaa: {  	[dreg:$0x3] =	wrdreg s6  }
0xab: {  	[dreg:$0x4] =	wrdreg $0xC0  }
0xac: {  	_ =	task [dreg:s8], $0x5FFFF  }
0xad: {  	[dreg:$0x1] =	wrdreg $0xFFFFFFFF  }
0xae: {  	[dreg:$0x0] =	wrdreg $0x60  }
0xaf: {  	[dreg:$0x2] =	wrdreg s2  }
0xb0: {  	[dreg:$0x3] =	wrdreg s24  }
0xb1: {  	[dreg:$0x4] =	wrdreg s18  }
0xb2: {  	[dreg:$0x5] =	wrdreg $0x9  }
0xb3: {  	_ =	task.clear_ibuf [dreg:s8], $0x6FFFF;
	_ =	strace $0x90000049  }
0xb4: {  	s29 =	simm.s32 $0x9;
	_ =	strace $0x8000004B  }
0xb5: {  	_ =	swait.ge [sflag:s29], $0x1  }
0xb6: {  	[sflag:s29] =	ssyncadd.s32 $0xFFFFFFFF  }
0xb7: {  	_ =	strace $0x9000004B  }
0xb8: {  	_ =	sfence  }
0xb9: {  	s30 =	sld [smem:$0x0];
	_ =	sdelay $0x2  }
0xba: {  	s31 =	sshll.u32 s1, $0xD;
	s1 =	sshrl.u32 s1, $0x2  }
0xbb: {  	s3 =	sand.u32 $0x4000, s31;
	s1 =	sadd.s32 s1, s30  }
0xbc: {  	s0 =	sor.u32 s3, s0;
	s1 =	sshll.u32 s1, $0x11  }
0xbd: {  	s0 =	sor.u32 s1, s0  }
0xbe: {  	s0 =	sadd.s32 $0x8F2B, s0  }
0xbf: {  	[sflag:s0] =	ssyncadd.remote.s32 $0x1  }
0xc0: {  	_ =	sfence.sel $0xFFFF  }
0xc1: {  	[dreg:$0x0] =	wrdreg $0xFFFFFFFF;
	(pc) =	sbr.abs _section_cstart, $3  }
0xc2: {  	[dreg:$0x1] =	wrdreg $0xFFFFFFFF  }
0xc3: {  	_ =	task.clear_ibuf [dreg:s8], $0x2FFFF;
	_ =	strace $0x9FFFFFFF  }
0xc4: {  	(tm) =	ssettm $0x7FFFFFFF  }
0xc5: {  	_ =	shalt  }
tec
execute0_lowered:
.L_overlay_start_1:
0x0: {  	(tag) =	ssettag $0x1  }
0x1: {  	s1 =	rddreg [dreg:$0x0]  }
0x2: {  	s2 =	srdreg.scid;
	s0 =	stileid.u32  }
0x3: {  	s4 =	rddreg [dreg:$0x1];
	s11 =	sand.u32 $0x1, s2;
	s30 =	sshll.u32 s0, $0x1  }
0x4: {  	s10 =	rddreg [dreg:$0x2];
	s12 =	sor.u32 s11, s30  }
0x5: {  	s3 =	simm.s32 $0x0;
	s2 =	rddreg [dreg:$0x3];
	s5 =	sshll.u32 s12, $0x5  }
0x6: {  	[smem:$0x7FF] =	sst s3;
	s4 =	sadd.s32 s5, s4  }
0x7: {  	_ =	strace $0x8000004A;
	s5 =	sadd.s32 $0x1400, s4;
	s4 =	simm.s32 $0x2  }
0x8: {  	[tilespmem:s3], [sflag:$0x2] =	stream.linear.gather [hbm4b:s5+s3], $0x100, $0x38;
	[tilespmem:$0x8100] =	vst v63  }
0x9: {  	_ =	swait.ge [sflag:s4], $0x100  }
0xa: {  	[sflag:s4] =	ssyncset.done $0x0  }
0xb: {  	s6 =	simm.s32 $0x80;
	s7 =	simm.s32 $0x100;
	[sflag:s4] =	ssyncadd.s32 $0xFFFFFF00  }
0xc: {  	[tilespmem:s7], [sflag:$0x1] =	stream.indirect.gather [hbm4b:s1+s6], $0x80, s3, s6, $0xb8;
	[tilespmem:$0x8100] =	vst v63  }
0xd: {  	s8 =	simm.s32 $0x4100;
	s9 =	simm.s32 $0x1  }
0xe: {  	[tilespmem:s8], [sflag:$0x1] =	stream.indirect.gather [hbm4b:s1+s6], $0x80, s6, s6, $0xb8;
	[tilespmem:$0x8100] =	vst v63  }
0xf: {  	_ =	swait.ge [sflag:s9], $0x4000  }
0x10: {  	s12 =	sshll.u32 s12, $0xC;
	[sflag:s9] =	ssyncset.done $0x0  }
0x11: {  	s11 =	ssub.s32 $0x2, s11;
	s10 =	sadd.s32 s10, s12;
	[sflag:s9] =	ssyncadd.s32 $0xFFFFC000  }
0x12: {  	[hbm4b:s10+s3] =	stream.linear.scatter [tilespmem:s7], [sflag:$0x2], $0x4000, $0x38;
	[tilespmem:$0x8100] =	vst v63  }
0x13: {  	s31 =	sshrl.u32 s11, $0x1;
	_ =	swait.ge [sflag:s4], $0x4000  }
0x14: {  	s12 =	ssub.s32 s11, s31;
	[sflag:s4] =	ssyncset.done $0x0  }
0x15: {  	s12 =	smax.u32 s12, $0x1;
	[sflag:s4] =	ssyncadd.s32 $0xFFFFC000  }
0x16: {  	p0 =	sne.s32 s12, $0x1;
	_ =	swait.ge [sflag:s9], $0x4000  }
.Ltmp0:
0x17: {  	[sflag:s9] =	ssyncset.done $0x0;
	(pc) =	sbr.rel @!p0 .LBB2_2-.Ltmp0, $4  }
0x18: {  	s11 =	sadd.s32 $0x800, s10;
	[sflag:s9] =	ssyncadd.s32 $0xFFFFC000  }
0x19: {  	[hbm4b:s11+s3] =	stream.linear.scatter [tilespmem:s8], [sflag:$0x2], $0x4000, $0x38;
	[tilespmem:$0x8100] =	vst v63  }
0x1a: {  	_ =	swait.ge [sflag:s4], $0x4000  }
0x1b: {  	s12 =	sadd.s32 $0xFFFFFFFF, s12;
	[sflag:s4] =	ssyncset.done $0x0  }
.LBB2_1:
0x1c: {  	p0 =	sne.s32 s12, $0x1;
	s12 =	sadd.s32 $0xFFFFFFFF, s12;
	[sflag:s4] =	ssyncadd.s32 $0xFFFFC000  }
0x1d: {  	[tilespmem:s3], [sflag:$0x2] =	stream.linear.gather [hbm4b:s5+s3], $0x100, $0x38;
	[tilespmem:$0x8100] =	vst v63  }
0x1e: {  	_ =	swait.ge [sflag:s4], $0x100  }
0x1f: {  	[sflag:s4] =	ssyncset.done $0x0  }
0x20: {  	[sflag:s4] =	ssyncadd.s32 $0xFFFFFF00  }
0x21: {  	[tilespmem:s7], [sflag:$0x1] =	stream.indirect.gather [hbm4b:s1+s6], $0x80, s3, s6, $0xb8;
	[tilespmem:$0x8100] =	vst v63  }
0x22: {  	_ = 	snop  }
0x23: {  	[tilespmem:s8], [sflag:$0x1] =	stream.indirect.gather [hbm4b:s1+s6], $0x80, s6, s6, $0xb8;
	[tilespmem:$0x8100] =	vst v63  }
0x24: {  	_ =	swait.ge [sflag:s9], $0x4000  }
0x25: {  	[sflag:s9] =	ssyncset.done $0x0  }
0x26: {  	[sflag:s9] =	ssyncadd.s32 $0xFFFFC000  }
0x27: {  	[hbm4b:s10+s3] =	stream.linear.scatter [tilespmem:s7], [sflag:$0x2], $0x4000, $0x38;
	[tilespmem:$0x8100] =	vst v63  }
0x28: {  	_ =	swait.ge [sflag:s4], $0x4000  }
0x29: {  	[sflag:s4] =	ssyncset.done $0x0  }
0x2a: {  	[sflag:s4] =	ssyncadd.s32 $0xFFFFC000  }
0x2b: {  	_ =	swait.ge [sflag:s9], $0x4000  }
.Ltmp1:
0x2c: {  	[sflag:s9] =	ssyncset.done $0x0;
	(pc) =	sbr.rel @p0 .LBB2_1-.Ltmp1, $4  }
0x2d: {  	[sflag:s9] =	ssyncadd.s32 $0xFFFFC000  }
0x2e: {  	[hbm4b:s11+s3] =	stream.linear.scatter [tilespmem:s8], [sflag:$0x2], $0x4000, $0x38;
	[tilespmem:$0x8100] =	vst v63  }
0x2f: {  	_ =	swait.ge [sflag:s4], $0x4000  }
0x30: {  	[sflag:s4] =	ssyncset.done $0x0  }
.LBB2_2:
0x31: {  	[sflag:s4] =	ssyncadd.s32 $0xFFFFC000  }
0x32: {  	_ =	sfence.sel $0x180000  }
0x33: {  	[bflag:$0x0] =	sbarrier.arrive $0xFFFF  }
0x34: {  	p0 =	sne.s32 s0, $0x0;
	_ =	strace $0x9000004A  }
0x35: {  	s0 =	sadd.s32 @!p0 $0x100000, s2;
	[bflag:$0x2] =	sbarrier.arrive $0xFFFF  }
0x36: {  	[sflag:s0] =	ssyncadd.tile.s32 @!p0 $0x1;
	_ =	shalt  }
.Lfunc_end2:
_tile_overlayer_lowered:
.L_overlay_start_2:
0x37: {  	(tag) =	ssettag $0x2  }
0x38: {  	s0 =	rddreg [dreg:$0x0];
	s2 =	stileid.u32  }
0x39: {  	s1 =	rddreg [dreg:$0x1];
	p0 =	sne.s32 s2, $0x0  }
0x3a: {  	s3 =	rddreg [dreg:$0x2];
	[bflag:$0x3] =	sbarrier.arrive $0xFFFF;
	s2 =	simm.s32 @!p0 $0x1C02  }
0x3b: {  	[timem:s3], [sflag:s2] =	dma.local @!p0 [hbm:s0], s1  }
0x3c: {  	s0 =	simm.s32 @!p0 $0x2  }
0x3d: {  	_ =	swait.ge @!p0 [sflag:s0], s1  }
0x3e: {  	s1 =	ssub.s32 @!p0 $0x0, s1;
	[sflag:s0] =	ssyncset.done @!p0 $0x0  }
0x3f: {  	[sflag:s0] =	ssyncadd.s32 @!p0 s1  }
0x40: {  	[bflag:$0x3] =	sbarrier.arrive $0xFFFF  }
0x41: {  	_ =	shalt  }

</sc_bundles>
